<compile_context>
chip_gen: v7x
topology: tpu7x:2x2x1
jax: 0.10.2.dev20260603
libtpu: 0.0.44.dev20260713+nightly
codegen_flags: <defaults>
</compile_context>

<pallas_src>
import functools

import jax
import jax.numpy as jnp
from jax import lax
from jax.experimental import pallas as pl
from jax.experimental.pallas import tpu as pltpu
from jax.experimental.pallas import tpu_sc as plsc

D = 256
C = 16
L = 16
UNROLL = 16
NW = 32

_GATHER_DNUMS = lax.GatherDimensionNumbers(
    offset_dims=(), collapsed_slice_dims=(0,), start_index_map=(0,)
)


def _permute(v, perm):
    return lax.gather(
        v,
        perm[:, None],
        _GATHER_DNUMS,
        slice_sizes=(1,),
        mode=lax.GatherScatterMode.PROMISE_IN_BOUNDS,
    )


@functools.lru_cache(maxsize=None)
def _build(e_pad):
    epw = e_pad // NW
    nchunks = epw // C
    assert nchunks % 2 == 0
    mesh = plsc.VectorSubcoreMesh(core_axis_name="c", subcore_axis_name="s")
    info = plsc.get_sparse_core_info()
    nc = info.num_cores

    @functools.partial(
        pl.kernel,
        mesh=mesh,
        compiler_params=pltpu.CompilerParams(
            use_tc_tiling_on_sc=False, needs_layout_passes=False
        ),
        out_type=jax.ShapeDtypeStruct((e_pad,), jnp.float32),
        scratch_types=[
            pltpu.VMEM((nchunks, C), jnp.int32),
            pltpu.VMEM((nchunks, C), jnp.int32),
            pltpu.VMEM((C, D), jnp.float32),
            pltpu.VMEM((C, D), jnp.float32),
            pltpu.VMEM((C, D), jnp.float32),
            pltpu.VMEM((C, D), jnp.float32),
            pltpu.VMEM((epw,), jnp.float32),
            pltpu.SemaphoreType.DMA,
            pltpu.SemaphoreType.DMA,
        ],
    )
    def k(xu, xi, src3, dst3, out, idx_u, idx_i, ru0, ri0, ru1, ri1, ov, sem0, sem1):
        wid = lax.axis_index("s") * nc + lax.axis_index("c")
        lane = lax.iota(jnp.int32, L)

        pltpu.sync_copy(src3.at[wid], idx_u)
        pltpu.sync_copy(dst3.at[wid], idx_i)

        H = C // 2

        def mk(m, ru, ri, sem):
            cs = []
            for tab, dst, idx in ((xu, ru, idx_u), (xi, ri, idx_i)):
                for h in range(2):
                    cs.append(
                        pltpu.make_async_copy(
                            tab.at[idx.at[m, pl.ds(h * H, H)]],
                            dst.at[pl.ds(h * H, H)],
                            sem,
                        )
                    )
            return cs

        def issue(m, ru, ri, sem):
            for c in mk(m, ru, ri, sem):
                c.start()

        def wait(m, ru, ri, sem):
            for c in mk(m, ru, ri, sem):
                c.wait()

        perms = [jnp.bitwise_xor(lane, sh) for sh in (8, 4, 2, 1)]

        def compute_chunk(n, ru, ri):
            def group(g, carry):
                def duo(q, av):
                    for j in range(2):
                        e16 = q * 2 + j
                        eidx = g * L + e16
                        accs = [
                            ru[eidx, pl.ds(k * L, L)] * ri[eidx, pl.ds(k * L, L)]
                            for k in range(4)
                        ]
                        for k in range(4, D // L):
                            accs[k % 4] = accs[k % 4] + (
                                ru[eidx, pl.ds(k * L, L)] * ri[eidx, pl.ds(k * L, L)]
                            )
                        s = (accs[0] + accs[1]) + (accs[2] + accs[3])
                        for perm in perms:
                            s = s + _permute(s, perm)
                        av = jnp.where(lane == e16, s, av)
                    return av

                accv = lax.fori_loop(0, 8, duo, jnp.zeros((L,), jnp.float32))

                ov[pl.ds(n * C + g * L, L)] = 1.0 / (1.0 + jnp.exp(-accv))
                return carry

            lax.fori_loop(0, C // L, group, 0)

        issue(0, ru0, ri0, sem0)

        def pair_body(t, carry):
            n0 = 2 * t
            n1 = n0 + 1
            issue(n1, ru1, ri1, sem1)
            wait(n0, ru0, ri0, sem0)
            compute_chunk(n0, ru0, ri0)
            n2 = jnp.minimum(n1 + 1, nchunks - 1)
            issue(n2, ru0, ri0, sem0)
            wait(n1, ru1, ri1, sem1)
            compute_chunk(n1, ru1, ri1)
            return carry

        lax.fori_loop(0, nchunks // 2, pair_body, 0)
        wait(nchunks - 1, ru0, ri0, sem0)

        pltpu.sync_copy(ov, out.at[pl.ds(wid * epw, epw)])

    return k


def kernel(x_user, x_item, edge_index):
    e = edge_index.shape[1]
    unit = NW * C * 2
    e_pad = ((e + unit - 1) // unit) * unit
    src = edge_index[0]
    dst = edge_index[1]
    if e_pad != e:
        pad = e_pad - e
        src = jnp.concatenate([src, jnp.zeros((pad,), jnp.int32)])
        dst = jnp.concatenate([dst, jnp.zeros((pad,), jnp.int32)])
    epw = e_pad // NW
    src3 = src.reshape(NW, epw // C, C)
    dst3 = dst.reshape(NW, epw // C, C)
    out = _build(e_pad)(x_user, x_item, src3, dst3)
    return out[:e]

# --- scband reference (transcript-rebuilt; emitter-appended) ---
"""Pipeline reference for scband-decoder-30863634989814 (READ-ONLY COPY).

The authoritative reference and input builder live on the scoring server;
editing this copy changes nothing except your own understanding.
"""

import jax, jax.numpy as jnp
import numpy as np

N_NODES = 10000
D_FEAT = 256
N_EDGES = 160000


def setup_inputs(seed: int = 0) -> dict:
    key = jax.random.key(seed)
    k1, k2, k3 = jax.random.split(key, 3)
    x_user = jax.random.normal(k1, (N_NODES, D_FEAT), dtype=jnp.float32)
    x_item = jax.random.normal(k2, (N_NODES, D_FEAT), dtype=jnp.float32)
    edge_index = jax.random.randint(k3, (2, N_EDGES), 0, N_NODES, dtype=jnp.int32)
    return {"x_user": x_user, "x_item": x_item, "edge_index": edge_index}


def reference(x_user, x_item, edge_index):
    # Heterogeneous link-prediction decoder flattened to one supervision
    # edge type ('user', 'to', 'item'):
    #   pred = sigmoid(sum(x_source[src] * x_target[dst], dim=1))
    source_index = edge_index[0]
    target_index = edge_index[1]
    nodes_source = jnp.take(x_user, source_index, axis=0)
    nodes_target = jnp.take(x_item, target_index, axis=0)
    pred = jnp.sum(nodes_source * nodes_target, axis=1)
    pred = jax.nn.sigmoid(pred)
    return pred

if __name__ == "__main__":
    import jax
    _d = setup_inputs()
    print(jax.jit(kernel)(*tuple(_d.values())))

</pallas_src>

<mosaic_0001>
#map = affine_map<(d0, d1) -> (0, 0)>
#map1 = affine_map<(d0, d1) -> (0, 0, 0)>
#map2 = affine_map<(d0, d1) -> (0)>
module attributes {stable_mosaic.version = 14 : i64} {
  func.func @k(%arg0: i32, %arg1: i32, %arg2: memref<10000x256xf32, #tpu.memory_space<hbm>>, %arg3: memref<10000x256xf32, #tpu.memory_space<hbm>>, %arg4: memref<32x314x16xi32, #tpu.memory_space<hbm>>, %arg5: memref<32x314x16xi32, #tpu.memory_space<hbm>>, %arg6: memref<160768xf32, #tpu.memory_space<hbm>>, %arg7: memref<314x16xi32, #tpu.memory_space<vmem>>, %arg8: memref<314x16xi32, #tpu.memory_space<vmem>>, %arg9: memref<16x256xf32, #tpu.memory_space<vmem>>, %arg10: memref<16x256xf32, #tpu.memory_space<vmem>>, %arg11: memref<16x256xf32, #tpu.memory_space<vmem>>, %arg12: memref<16x256xf32, #tpu.memory_space<vmem>>, %arg13: memref<5024xf32, #tpu.memory_space<vmem>>, %arg14: memref<!tpu.dma_semaphore, #tpu.memory_space<semaphore_mem>>, %arg15: memref<!tpu.dma_semaphore, #tpu.memory_space<semaphore_mem>>) attributes {dimension_semantics = [#tpu.dimension_semantics<core_parallel>, #tpu.dimension_semantics<subcore_parallel>], iteration_bounds = array<i64: 2, 16>, scalar_prefetch = 0 : i64, scratch_operands = 9 : i64, tpu.core_type = #tpu.core_type<sc_vector_subcore>, window_params = [{transform_indices = #map}, {transform_indices = #map}, {transform_indices = #map1}, {transform_indices = #map1}, {transform_indices = #map2}]} {
    %mul3A = arith.constant 2 : i32
    %mul3A_0 = arith.muli %arg1, %mul3A : i32
    %add3A = arith.addi %mul3A_0, %arg0 : i32
    %iota3A = tpu.iota {dimensions = array<i32: 0>} : vector<16xi32>
    "tpu.region"() ({
      %run_scoped3A = tpu.sem_alloc : memref<!tpu.dma_semaphore, #tpu.memory_space<semaphore_mem>>
      %dma_start3A_97 = arith.constant 0 : i32
      %dma_start3A_98 = arith.constant 0 : i32
      %dma_start3A_99 = tpu.memref_slice %arg4[%add3A, %dma_start3A_97, %dma_start3A_98] : memref<32x314x16xi32, #tpu.memory_space<hbm>> -> memref<1x314x16xi32, #tpu.memory_space<hbm>>
      %dma_start3A_100 = tpu.memref_squeeze %dma_start3A_99 : memref<1x314x16xi32, #tpu.memory_space<hbm>> -> memref<314x16xi32, #tpu.memory_space<hbm>>
      %dma_start3A_101 = arith.constant 0 : i32
      %dma_start3A_102 = arith.constant 0 : i32
      %dma_start3A_103 = tpu.memref_slice %arg4[%add3A, %dma_start3A_101, %dma_start3A_102] : memref<32x314x16xi32, #tpu.memory_space<hbm>> -> memref<1x314x16xi32, #tpu.memory_space<hbm>>
      %dma_start3A_104 = tpu.memref_squeeze %dma_start3A_103 : memref<1x314x16xi32, #tpu.memory_space<hbm>> -> memref<314x16xi32, #tpu.memory_space<hbm>>
      tpu.enqueue_dma source(%dma_start3A_104 : memref<314x16xi32, #tpu.memory_space<hbm>>) target(%arg7 : memref<314x16xi32, #tpu.memory_space<vmem>>) target_semaphore(%run_scoped3A : memref<!tpu.dma_semaphore, #tpu.memory_space<semaphore_mem>>)
      %dma_wait3A_105 = arith.constant 0 : i32
      %dma_wait3A_106 = arith.constant 0 : i32
      %dma_wait3A_107 = tpu.memref_slice %arg4[%add3A, %dma_wait3A_105, %dma_wait3A_106] : memref<32x314x16xi32, #tpu.memory_space<hbm>> -> memref<1x314x16xi32, #tpu.memory_space<hbm>>
      %dma_wait3A_108 = tpu.memref_squeeze %dma_wait3A_107 : memref<1x314x16xi32, #tpu.memory_space<hbm>> -> memref<314x16xi32, #tpu.memory_space<hbm>>
      %dma_wait3A_109 = arith.constant 0 : i32
      %dma_wait3A_110 = arith.constant 0 : i32
      %dma_wait3A_111 = tpu.memref_slice %arg4[%add3A, %dma_wait3A_109, %dma_wait3A_110] : memref<32x314x16xi32, #tpu.memory_space<hbm>> -> memref<1x314x16xi32, #tpu.memory_space<hbm>>
      %dma_wait3A_112 = tpu.memref_squeeze %dma_wait3A_111 : memref<1x314x16xi32, #tpu.memory_space<hbm>> -> memref<314x16xi32, #tpu.memory_space<hbm>>
      tpu.wait_dma2 semaphore(%run_scoped3A : memref<!tpu.dma_semaphore, #tpu.memory_space<semaphore_mem>>) src(%dma_wait3A_112 : memref<314x16xi32, #tpu.memory_space<hbm>>) dst(%arg7 : memref<314x16xi32, #tpu.memory_space<vmem>>)
      tpu.yield
    }) : () -> ()
    "tpu.region"() ({
      %run_scoped3A = tpu.sem_alloc : memref<!tpu.dma_semaphore, #tpu.memory_space<semaphore_mem>>
      %dma_start3A_97 = arith.constant 0 : i32
      %dma_start3A_98 = arith.constant 0 : i32
      %dma_start3A_99 = tpu.memref_slice %arg5[%add3A, %dma_start3A_97, %dma_start3A_98] : memref<32x314x16xi32, #tpu.memory_space<hbm>> -> memref<1x314x16xi32, #tpu.memory_space<hbm>>
      %dma_start3A_100 = tpu.memref_squeeze %dma_start3A_99 : memref<1x314x16xi32, #tpu.memory_space<hbm>> -> memref<314x16xi32, #tpu.memory_space<hbm>>
      %dma_start3A_101 = arith.constant 0 : i32
      %dma_start3A_102 = arith.constant 0 : i32
      %dma_start3A_103 = tpu.memref_slice %arg5[%add3A, %dma_start3A_101, %dma_start3A_102] : memref<32x314x16xi32, #tpu.memory_space<hbm>> -> memref<1x314x16xi32, #tpu.memory_space<hbm>>
      %dma_start3A_104 = tpu.memref_squeeze %dma_start3A_103 : memref<1x314x16xi32, #tpu.memory_space<hbm>> -> memref<314x16xi32, #tpu.memory_space<hbm>>
      tpu.enqueue_dma source(%dma_start3A_104 : memref<314x16xi32, #tpu.memory_space<hbm>>) target(%arg8 : memref<314x16xi32, #tpu.memory_space<vmem>>) target_semaphore(%run_scoped3A : memref<!tpu.dma_semaphore, #tpu.memory_space<semaphore_mem>>)
      %dma_wait3A_105 = arith.constant 0 : i32
      %dma_wait3A_106 = arith.constant 0 : i32
      %dma_wait3A_107 = tpu.memref_slice %arg5[%add3A, %dma_wait3A_105, %dma_wait3A_106] : memref<32x314x16xi32, #tpu.memory_space<hbm>> -> memref<1x314x16xi32, #tpu.memory_space<hbm>>
      %dma_wait3A_108 = tpu.memref_squeeze %dma_wait3A_107 : memref<1x314x16xi32, #tpu.memory_space<hbm>> -> memref<314x16xi32, #tpu.memory_space<hbm>>
      %dma_wait3A_109 = arith.constant 0 : i32
      %dma_wait3A_110 = arith.constant 0 : i32
      %dma_wait3A_111 = tpu.memref_slice %arg5[%add3A, %dma_wait3A_109, %dma_wait3A_110] : memref<32x314x16xi32, #tpu.memory_space<hbm>> -> memref<1x314x16xi32, #tpu.memory_space<hbm>>
      %dma_wait3A_112 = tpu.memref_squeeze %dma_wait3A_111 : memref<1x314x16xi32, #tpu.memory_space<hbm>> -> memref<314x16xi32, #tpu.memory_space<hbm>>
      tpu.wait_dma2 semaphore(%run_scoped3A : memref<!tpu.dma_semaphore, #tpu.memory_space<semaphore_mem>>) src(%dma_wait3A_112 : memref<314x16xi32, #tpu.memory_space<hbm>>) dst(%arg8 : memref<314x16xi32, #tpu.memory_space<vmem>>)
      tpu.yield
    }) : () -> ()
    %xor3A = arith.constant 8 : i32
    %xor3A_1 = vector.broadcast %xor3A : i32 to vector<16xi32>
    %xor3A_2 = arith.xori %iota3A, %xor3A_1 : vector<16xi32>
    %xor3A_3 = arith.constant 4 : i32
    %xor3A_4 = vector.broadcast %xor3A_3 : i32 to vector<16xi32>
    %xor3A_5 = arith.xori %iota3A, %xor3A_4 : vector<16xi32>
    %xor3A_6 = arith.constant 2 : i32
    %xor3A_7 = vector.broadcast %xor3A_6 : i32 to vector<16xi32>
    %xor3A_8 = arith.xori %iota3A, %xor3A_7 : vector<16xi32>
    %xor3A_9 = arith.constant 1 : i32
    %xor3A_10 = vector.broadcast %xor3A_9 : i32 to vector<16xi32>
    %xor3A_11 = arith.xori %iota3A, %xor3A_10 : vector<16xi32>
    %dma_start3A = arith.constant 0 : i32
    %dma_start3A_12 = arith.constant 0 : i32
    %dma_start3A_13 = arith.constant 0 : i32
    %dma_start3A_14 = tpu.memref_slice %arg9[%dma_start3A_12, %dma_start3A_13] : memref<16x256xf32, #tpu.memory_space<vmem>> -> memref<8x256xf32, #tpu.memory_space<vmem>>
    %dma_start3A_15 = arith.constant 0 : i32
    %dma_start3A_16 = tpu.memref_slice %arg7[%dma_start3A, %dma_start3A_15] : memref<314x16xi32, #tpu.memory_space<vmem>> -> memref<1x8xi32, #tpu.memory_space<vmem>>
    %dma_start3A_17 = tpu.memref_squeeze %dma_start3A_16 : memref<1x8xi32, #tpu.memory_space<vmem>> -> memref<8xi32, #tpu.memory_space<vmem>>
    %dma_start3A_18 = arith.constant 0 : i32
    %dma_start3A_19 = arith.constant 0 : i32
    %dma_start3A_20 = tpu.memref_slice %arg2[%dma_start3A_18, %dma_start3A_19] : memref<10000x256xf32, #tpu.memory_space<hbm>> -> memref<10000x256xf32, #tpu.memory_space<hbm>>
    tpu.enqueue_indirect_dma source(%dma_start3A_20 : memref<10000x256xf32, #tpu.memory_space<hbm>>) target(%dma_start3A_14 : memref<8x256xf32, #tpu.memory_space<vmem>>) offsets(%dma_start3A_17 : memref<8xi32, #tpu.memory_space<vmem>>) semaphore(%arg14 : memref<!tpu.dma_semaphore, #tpu.memory_space<semaphore_mem>>)
    %dma_start3A_21 = arith.constant 0 : i32
    %dma_start3A_22 = arith.constant 8 : i32
    %dma_start3A_23 = arith.constant 0 : i32
    %dma_start3A_24 = tpu.memref_slice %arg9[%dma_start3A_22, %dma_start3A_23] : memref<16x256xf32, #tpu.memory_space<vmem>> -> memref<8x256xf32, #tpu.memory_space<vmem>>
    %dma_start3A_25 = arith.constant 8 : i32
    %dma_start3A_26 = tpu.memref_slice %arg7[%dma_start3A_21, %dma_start3A_25] : memref<314x16xi32, #tpu.memory_space<vmem>> -> memref<1x8xi32, #tpu.memory_space<vmem>>
    %dma_start3A_27 = tpu.memref_squeeze %dma_start3A_26 : memref<1x8xi32, #tpu.memory_space<vmem>> -> memref<8xi32, #tpu.memory_space<vmem>>
    %dma_start3A_28 = arith.constant 0 : i32
    %dma_start3A_29 = arith.constant 0 : i32
    %dma_start3A_30 = tpu.memref_slice %arg2[%dma_start3A_28, %dma_start3A_29] : memref<10000x256xf32, #tpu.memory_space<hbm>> -> memref<10000x256xf32, #tpu.memory_space<hbm>>
    tpu.enqueue_indirect_dma source(%dma_start3A_30 : memref<10000x256xf32, #tpu.memory_space<hbm>>) target(%dma_start3A_24 : memref<8x256xf32, #tpu.memory_space<vmem>>) offsets(%dma_start3A_27 : memref<8xi32, #tpu.memory_space<vmem>>) semaphore(%arg14 : memref<!tpu.dma_semaphore, #tpu.memory_space<semaphore_mem>>)
    %dma_start3A_31 = arith.constant 0 : i32
    %dma_start3A_32 = arith.constant 0 : i32
    %dma_start3A_33 = arith.constant 0 : i32
    %dma_start3A_34 = tpu.memref_slice %arg10[%dma_start3A_32, %dma_start3A_33] : memref<16x256xf32, #tpu.memory_space<vmem>> -> memref<8x256xf32, #tpu.memory_space<vmem>>
    %dma_start3A_35 = arith.constant 0 : i32
    %dma_start3A_36 = tpu.memref_slice %arg8[%dma_start3A_31, %dma_start3A_35] : memref<314x16xi32, #tpu.memory_space<vmem>> -> memref<1x8xi32, #tpu.memory_space<vmem>>
    %dma_start3A_37 = tpu.memref_squeeze %dma_start3A_36 : memref<1x8xi32, #tpu.memory_space<vmem>> -> memref<8xi32, #tpu.memory_space<vmem>>
    %dma_start3A_38 = arith.constant 0 : i32
    %dma_start3A_39 = arith.constant 0 : i32
    %dma_start3A_40 = tpu.memref_slice %arg3[%dma_start3A_38, %dma_start3A_39] : memref<10000x256xf32, #tpu.memory_space<hbm>> -> memref<10000x256xf32, #tpu.memory_space<hbm>>
    tpu.enqueue_indirect_dma source(%dma_start3A_40 : memref<10000x256xf32, #tpu.memory_space<hbm>>) target(%dma_start3A_34 : memref<8x256xf32, #tpu.memory_space<vmem>>) offsets(%dma_start3A_37 : memref<8xi32, #tpu.memory_space<vmem>>) semaphore(%arg14 : memref<!tpu.dma_semaphore, #tpu.memory_space<semaphore_mem>>)
    %dma_start3A_41 = arith.constant 0 : i32
    %dma_start3A_42 = arith.constant 8 : i32
    %dma_start3A_43 = arith.constant 0 : i32
    %dma_start3A_44 = tpu.memref_slice %arg10[%dma_start3A_42, %dma_start3A_43] : memref<16x256xf32, #tpu.memory_space<vmem>> -> memref<8x256xf32, #tpu.memory_space<vmem>>
    %dma_start3A_45 = arith.constant 8 : i32
    %dma_start3A_46 = tpu.memref_slice %arg8[%dma_start3A_41, %dma_start3A_45] : memref<314x16xi32, #tpu.memory_space<vmem>> -> memref<1x8xi32, #tpu.memory_space<vmem>>
    %dma_start3A_47 = tpu.memref_squeeze %dma_start3A_46 : memref<1x8xi32, #tpu.memory_space<vmem>> -> memref<8xi32, #tpu.memory_space<vmem>>
    %dma_start3A_48 = arith.constant 0 : i32
    %dma_start3A_49 = arith.constant 0 : i32
    %dma_start3A_50 = tpu.memref_slice %arg3[%dma_start3A_48, %dma_start3A_49] : memref<10000x256xf32, #tpu.memory_space<hbm>> -> memref<10000x256xf32, #tpu.memory_space<hbm>>
    tpu.enqueue_indirect_dma source(%dma_start3A_50 : memref<10000x256xf32, #tpu.memory_space<hbm>>) target(%dma_start3A_44 : memref<8x256xf32, #tpu.memory_space<vmem>>) offsets(%dma_start3A_47 : memref<8xi32, #tpu.memory_space<vmem>>) semaphore(%arg14 : memref<!tpu.dma_semaphore, #tpu.memory_space<semaphore_mem>>)
    %scan3A = arith.constant 0 : i32
    %scan3A_51 = arith.constant 0 : i32
    %scan3A_52 = arith.constant 157 : i32
    %scan3A_53 = arith.addi %scan3A_51, %scan3A_52 : i32
    %scan3A_54 = arith.constant 1 : i32
    scf.for %scan3A_97 = %scan3A_51 to %scan3A_53 step %scan3A_54  : i32 {
      %mul3A_98 = arith.constant 2 : i32
      %mul3A_99 = arith.muli %mul3A_98, %scan3A_97 : i32
      %add3A_100 = arith.constant 1 : i32
      %add3A_101 = arith.addi %mul3A_99, %add3A_100 : i32
      %dma_start3A_102 = arith.constant 0 : i32
      %dma_start3A_103 = arith.constant 0 : i32
      %dma_start3A_104 = tpu.memref_slice %arg11[%dma_start3A_102, %dma_start3A_103] : memref<16x256xf32, #tpu.memory_space<vmem>> -> memref<8x256xf32, #tpu.memory_space<vmem>>
      %dma_start3A_105 = arith.constant 0 : i32
      %dma_start3A_106 = tpu.memref_slice %arg7[%add3A_101, %dma_start3A_105] : memref<314x16xi32, #tpu.memory_space<vmem>> -> memref<1x8xi32, #tpu.memory_space<vmem>>
      %dma_start3A_107 = tpu.memref_squeeze %dma_start3A_106 : memref<1x8xi32, #tpu.memory_space<vmem>> -> memref<8xi32, #tpu.memory_space<vmem>>
      %dma_start3A_108 = arith.constant 0 : i32
      %dma_start3A_109 = arith.constant 0 : i32
      %dma_start3A_110 = tpu.memref_slice %arg2[%dma_start3A_108, %dma_start3A_109] : memref<10000x256xf32, #tpu.memory_space<hbm>> -> memref<10000x256xf32, #tpu.memory_space<hbm>>
      tpu.enqueue_indirect_dma source(%dma_start3A_110 : memref<10000x256xf32, #tpu.memory_space<hbm>>) target(%dma_start3A_104 : memref<8x256xf32, #tpu.memory_space<vmem>>) offsets(%dma_start3A_107 : memref<8xi32, #tpu.memory_space<vmem>>) semaphore(%arg15 : memref<!tpu.dma_semaphore, #tpu.memory_space<semaphore_mem>>)
      %dma_start3A_111 = arith.constant 8 : i32
      %dma_start3A_112 = arith.constant 0 : i32
      %dma_start3A_113 = tpu.memref_slice %arg11[%dma_start3A_111, %dma_start3A_112] : memref<16x256xf32, #tpu.memory_space<vmem>> -> memref<8x256xf32, #tpu.memory_space<vmem>>
      %dma_start3A_114 = arith.constant 8 : i32
      %dma_start3A_115 = tpu.memref_slice %arg7[%add3A_101, %dma_start3A_114] : memref<314x16xi32, #tpu.memory_space<vmem>> -> memref<1x8xi32, #tpu.memory_space<vmem>>
      %dma_start3A_116 = tpu.memref_squeeze %dma_start3A_115 : memref<1x8xi32, #tpu.memory_space<vmem>> -> memref<8xi32, #tpu.memory_space<vmem>>
      %dma_start3A_117 = arith.constant 0 : i32
      %dma_start3A_118 = arith.constant 0 : i32
      %dma_start3A_119 = tpu.memref_slice %arg2[%dma_start3A_117, %dma_start3A_118] : memref<10000x256xf32, #tpu.memory_space<hbm>> -> memref<10000x256xf32, #tpu.memory_space<hbm>>
      tpu.enqueue_indirect_dma source(%dma_start3A_119 : memref<10000x256xf32, #tpu.memory_space<hbm>>) target(%dma_start3A_113 : memref<8x256xf32, #tpu.memory_space<vmem>>) offsets(%dma_start3A_116 : memref<8xi32, #tpu.memory_space<vmem>>) semaphore(%arg15 : memref<!tpu.dma_semaphore, #tpu.memory_space<semaphore_mem>>)
      %dma_start3A_120 = arith.constant 0 : i32
      %dma_start3A_121 = arith.constant 0 : i32
      %dma_start3A_122 = tpu.memref_slice %arg12[%dma_start3A_120, %dma_start3A_121] : memref<16x256xf32, #tpu.memory_space<vmem>> -> memref<8x256xf32, #tpu.memory_space<vmem>>
      %dma_start3A_123 = arith.constant 0 : i32
      %dma_start3A_124 = tpu.memref_slice %arg8[%add3A_101, %dma_start3A_123] : memref<314x16xi32, #tpu.memory_space<vmem>> -> memref<1x8xi32, #tpu.memory_space<vmem>>
      %dma_start3A_125 = tpu.memref_squeeze %dma_start3A_124 : memref<1x8xi32, #tpu.memory_space<vmem>> -> memref<8xi32, #tpu.memory_space<vmem>>
      %dma_start3A_126 = arith.constant 0 : i32
      %dma_start3A_127 = arith.constant 0 : i32
      %dma_start3A_128 = tpu.memref_slice %arg3[%dma_start3A_126, %dma_start3A_127] : memref<10000x256xf32, #tpu.memory_space<hbm>> -> memref<10000x256xf32, #tpu.memory_space<hbm>>
      tpu.enqueue_indirect_dma source(%dma_start3A_128 : memref<10000x256xf32, #tpu.memory_space<hbm>>) target(%dma_start3A_122 : memref<8x256xf32, #tpu.memory_space<vmem>>) offsets(%dma_start3A_125 : memref<8xi32, #tpu.memory_space<vmem>>) semaphore(%arg15 : memref<!tpu.dma_semaphore, #tpu.memory_space<semaphore_mem>>)
      %dma_start3A_129 = arith.constant 8 : i32
      %dma_start3A_130 = arith.constant 0 : i32
      %dma_start3A_131 = tpu.memref_slice %arg12[%dma_start3A_129, %dma_start3A_130] : memref<16x256xf32, #tpu.memory_space<vmem>> -> memref<8x256xf32, #tpu.memory_space<vmem>>
      %dma_start3A_132 = arith.constant 8 : i32
      %dma_start3A_133 = tpu.memref_slice %arg8[%add3A_101, %dma_start3A_132] : memref<314x16xi32, #tpu.memory_space<vmem>> -> memref<1x8xi32, #tpu.memory_space<vmem>>
      %dma_start3A_134 = tpu.memref_squeeze %dma_start3A_133 : memref<1x8xi32, #tpu.memory_space<vmem>> -> memref<8xi32, #tpu.memory_space<vmem>>
      %dma_start3A_135 = arith.constant 0 : i32
      %dma_start3A_136 = arith.constant 0 : i32
      %dma_start3A_137 = tpu.memref_slice %arg3[%dma_start3A_135, %dma_start3A_136] : memref<10000x256xf32, #tpu.memory_space<hbm>> -> memref<10000x256xf32, #tpu.memory_space<hbm>>
      tpu.enqueue_indirect_dma source(%dma_start3A_137 : memref<10000x256xf32, #tpu.memory_space<hbm>>) target(%dma_start3A_131 : memref<8x256xf32, #tpu.memory_space<vmem>>) offsets(%dma_start3A_134 : memref<8xi32, #tpu.memory_space<vmem>>) semaphore(%arg15 : memref<!tpu.dma_semaphore, #tpu.memory_space<semaphore_mem>>)
      %dma_wait3A_138 = arith.constant 0 : i32
      %dma_wait3A_139 = arith.constant 0 : i32
      %dma_wait3A_140 = tpu.memref_slice %arg9[%dma_wait3A_138, %dma_wait3A_139] : memref<16x256xf32, #tpu.memory_space<vmem>> -> memref<8x256xf32, #tpu.memory_space<vmem>>
      %dma_wait3A_141 = arith.constant 0 : i32
      %dma_wait3A_142 = tpu.memref_slice %arg7[%mul3A_99, %dma_wait3A_141] : memref<314x16xi32, #tpu.memory_space<vmem>> -> memref<1x8xi32, #tpu.memory_space<vmem>>
      %dma_wait3A_143 = tpu.memref_squeeze %dma_wait3A_142 : memref<1x8xi32, #tpu.memory_space<vmem>> -> memref<8xi32, #tpu.memory_space<vmem>>
      %dma_wait3A_144 = arith.constant 0 : i32
      %dma_wait3A_145 = arith.constant 0 : i32
      %dma_wait3A_146 = tpu.memref_slice %arg2[%dma_wait3A_144, %dma_wait3A_145] : memref<10000x256xf32, #tpu.memory_space<hbm>> -> memref<10000x256xf32, #tpu.memory_space<hbm>>
      tpu.wait_indirect_dma semaphore(%arg14 : memref<!tpu.dma_semaphore, #tpu.memory_space<semaphore_mem>>) src(%dma_wait3A_146 : memref<10000x256xf32, #tpu.memory_space<hbm>>) dst(%dma_wait3A_140 : memref<8x256xf32, #tpu.memory_space<vmem>>)
      %dma_wait3A_147 = arith.constant 8 : i32
      %dma_wait3A_148 = arith.constant 0 : i32
      %dma_wait3A_149 = tpu.memref_slice %arg9[%dma_wait3A_147, %dma_wait3A_148] : memref<16x256xf32, #tpu.memory_space<vmem>> -> memref<8x256xf32, #tpu.memory_space<vmem>>
      %dma_wait3A_150 = arith.constant 8 : i32
      %dma_wait3A_151 = tpu.memref_slice %arg7[%mul3A_99, %dma_wait3A_150] : memref<314x16xi32, #tpu.memory_space<vmem>> -> memref<1x8xi32, #tpu.memory_space<vmem>>
      %dma_wait3A_152 = tpu.memref_squeeze %dma_wait3A_151 : memref<1x8xi32, #tpu.memory_space<vmem>> -> memref<8xi32, #tpu.memory_space<vmem>>
      %dma_wait3A_153 = arith.constant 0 : i32
      %dma_wait3A_154 = arith.constant 0 : i32
      %dma_wait3A_155 = tpu.memref_slice %arg2[%dma_wait3A_153, %dma_wait3A_154] : memref<10000x256xf32, #tpu.memory_space<hbm>> -> memref<10000x256xf32, #tpu.memory_space<hbm>>
      tpu.wait_indirect_dma semaphore(%arg14 : memref<!tpu.dma_semaphore, #tpu.memory_space<semaphore_mem>>) src(%dma_wait3A_155 : memref<10000x256xf32, #tpu.memory_space<hbm>>) dst(%dma_wait3A_149 : memref<8x256xf32, #tpu.memory_space<vmem>>)
      %dma_wait3A_156 = arith.constant 0 : i32
      %dma_wait3A_157 = arith.constant 0 : i32
      %dma_wait3A_158 = tpu.memref_slice %arg10[%dma_wait3A_156, %dma_wait3A_157] : memref<16x256xf32, #tpu.memory_space<vmem>> -> memref<8x256xf32, #tpu.memory_space<vmem>>
      %dma_wait3A_159 = arith.constant 0 : i32
      %dma_wait3A_160 = tpu.memref_slice %arg8[%mul3A_99, %dma_wait3A_159] : memref<314x16xi32, #tpu.memory_space<vmem>> -> memref<1x8xi32, #tpu.memory_space<vmem>>
      %dma_wait3A_161 = tpu.memref_squeeze %dma_wait3A_160 : memref<1x8xi32, #tpu.memory_space<vmem>> -> memref<8xi32, #tpu.memory_space<vmem>>
      %dma_wait3A_162 = arith.constant 0 : i32
      %dma_wait3A_163 = arith.constant 0 : i32
      %dma_wait3A_164 = tpu.memref_slice %arg3[%dma_wait3A_162, %dma_wait3A_163] : memref<10000x256xf32, #tpu.memory_space<hbm>> -> memref<10000x256xf32, #tpu.memory_space<hbm>>
      tpu.wait_indirect_dma semaphore(%arg14 : memref<!tpu.dma_semaphore, #tpu.memory_space<semaphore_mem>>) src(%dma_wait3A_164 : memref<10000x256xf32, #tpu.memory_space<hbm>>) dst(%dma_wait3A_158 : memref<8x256xf32, #tpu.memory_space<vmem>>)
      %dma_wait3A_165 = arith.constant 8 : i32
      %dma_wait3A_166 = arith.constant 0 : i32
      %dma_wait3A_167 = tpu.memref_slice %arg10[%dma_wait3A_165, %dma_wait3A_166] : memref<16x256xf32, #tpu.memory_space<vmem>> -> memref<8x256xf32, #tpu.memory_space<vmem>>
      %dma_wait3A_168 = arith.constant 8 : i32
      %dma_wait3A_169 = tpu.memref_slice %arg8[%mul3A_99, %dma_wait3A_168] : memref<314x16xi32, #tpu.memory_space<vmem>> -> memref<1x8xi32, #tpu.memory_space<vmem>>
      %dma_wait3A_170 = tpu.memref_squeeze %dma_wait3A_169 : memref<1x8xi32, #tpu.memory_space<vmem>> -> memref<8xi32, #tpu.memory_space<vmem>>
      %dma_wait3A_171 = arith.constant 0 : i32
      %dma_wait3A_172 = arith.constant 0 : i32
      %dma_wait3A_173 = tpu.memref_slice %arg3[%dma_wait3A_171, %dma_wait3A_172] : memref<10000x256xf32, #tpu.memory_space<hbm>> -> memref<10000x256xf32, #tpu.memory_space<hbm>>
      tpu.wait_indirect_dma semaphore(%arg14 : memref<!tpu.dma_semaphore, #tpu.memory_space<semaphore_mem>>) src(%dma_wait3A_173 : memref<10000x256xf32, #tpu.memory_space<hbm>>) dst(%dma_wait3A_167 : memref<8x256xf32, #tpu.memory_space<vmem>>)
      %scan3A_174 = arith.constant 0 : i32
      %scan3A_175 = arith.constant 0 : i32
      %broadcast_in_dim3A = arith.constant 0.000000e+00 : f32
      %broadcast_in_dim3A_176 = vector.broadcast %broadcast_in_dim3A : f32 to vector<16xf32>
      %scan3A_177 = arith.constant 0 : i32
      %scan3A_178 = arith.constant 8 : i32
      %scan3A_179 = arith.addi %scan3A_177, %scan3A_178 : i32
      %scan3A_180 = arith.constant 1 : i32
      %scan3A_181 = scf.for %scan3A_300 = %scan3A_177 to %scan3A_179 step %scan3A_180 iter_args(%scan3A_301 = %broadcast_in_dim3A_176) -> (vector<16xf32>)  : i32 {
        %mul3A_302 = arith.constant 2 : i32
        %mul3A_303 = arith.muli %scan3A_300, %mul3A_302 : i32
        %add3A_304 = arith.constant 0 : i32
        %add3A_305 = arith.addi %mul3A_303, %add3A_304 : i32
        %mul3A_306 = arith.constant 16 : i32
        %mul3A_307 = arith.muli %scan3A_175, %mul3A_306 : i32
        %add3A_308 = arith.addi %mul3A_307, %add3A_305 : i32
        %get3A = arith.index_cast %add3A_308 : i32 to index
        %get3A_309 = arith.constant 0 : index
        %get3A_310 = tpu.vector_load %arg9[%get3A, %get3A_309] {strides = array<i32>} : memref<16x256xf32, #tpu.memory_space<vmem>>, vector<16xf32>,
        %get3A_311 = arith.index_cast %add3A_308 : i32 to index
        %get3A_312 = arith.constant 0 : index
        %get3A_313 = tpu.vector_load %arg10[%get3A_311, %get3A_312] {strides = array<i32>} : memref<16x256xf32, #tpu.memory_space<vmem>>, vector<16xf32>,
        %mul3A_314 = arith.mulf %get3A_310, %get3A_313 : vector<16xf32>
        %get3A_315 = arith.index_cast %add3A_308 : i32 to index
        %get3A_316 = arith.constant 16 : index
        %get3A_317 = tpu.vector_load %arg9[%get3A_315, %get3A_316] {strides = array<i32>} : memref<16x256xf32, #tpu.memory_space<vmem>>, vector<16xf32>,
        %get3A_318 = arith.index_cast %add3A_308 : i32 to index
        %get3A_319 = arith.constant 16 : index
        %get3A_320 = tpu.vector_load %arg10[%get3A_318, %get3A_319] {strides = array<i32>} : memref<16x256xf32, #tpu.memory_space<vmem>>, vector<16xf32>,
        %mul3A_321 = arith.mulf %get3A_317, %get3A_320 : vector<16xf32>
        %get3A_322 = arith.index_cast %add3A_308 : i32 to index
        %get3A_323 = arith.constant 32 : index
        %get3A_324 = tpu.vector_load %arg9[%get3A_322, %get3A_323] {strides = array<i32>} : memref<16x256xf32, #tpu.memory_space<vmem>>, vector<16xf32>,
        %get3A_325 = arith.index_cast %add3A_308 : i32 to index
        %get3A_326 = arith.constant 32 : index
        %get3A_327 = tpu.vector_load %arg10[%get3A_325, %get3A_326] {strides = array<i32>} : memref<16x256xf32, #tpu.memory_space<vmem>>, vector<16xf32>,
        %mul3A_328 = arith.mulf %get3A_324, %get3A_327 : vector<16xf32>
        %get3A_329 = arith.index_cast %add3A_308 : i32 to index
        %get3A_330 = arith.constant 48 : index
        %get3A_331 = tpu.vector_load %arg9[%get3A_329, %get3A_330] {strides = array<i32>} : memref<16x256xf32, #tpu.memory_space<vmem>>, vector<16xf32>,
        %get3A_332 = arith.index_cast %add3A_308 : i32 to index
        %get3A_333 = arith.constant 48 : index
        %get3A_334 = tpu.vector_load %arg10[%get3A_332, %get3A_333] {strides = array<i32>} : memref<16x256xf32, #tpu.memory_space<vmem>>, vector<16xf32>,
        %mul3A_335 = arith.mulf %get3A_331, %get3A_334 : vector<16xf32>
        %get3A_336 = arith.index_cast %add3A_308 : i32 to index
        %get3A_337 = arith.constant 64 : index
        %get3A_338 = tpu.vector_load %arg9[%get3A_336, %get3A_337] {strides = array<i32>} : memref<16x256xf32, #tpu.memory_space<vmem>>, vector<16xf32>,
        %get3A_339 = arith.index_cast %add3A_308 : i32 to index
        %get3A_340 = arith.constant 64 : index
        %get3A_341 = tpu.vector_load %arg10[%get3A_339, %get3A_340] {strides = array<i32>} : memref<16x256xf32, #tpu.memory_space<vmem>>, vector<16xf32>,
        %mul3A_342 = arith.mulf %get3A_338, %get3A_341 : vector<16xf32>
        %add3A_343 = arith.addf %mul3A_314, %mul3A_342 : vector<16xf32>
        %get3A_344 = arith.index_cast %add3A_308 : i32 to index
        %get3A_345 = arith.constant 80 : index
        %get3A_346 = tpu.vector_load %arg9[%get3A_344, %get3A_345] {strides = array<i32>} : memref<16x256xf32, #tpu.memory_space<vmem>>, vector<16xf32>,
        %get3A_347 = arith.index_cast %add3A_308 : i32 to index
        %get3A_348 = arith.constant 80 : index
        %get3A_349 = tpu.vector_load %arg10[%get3A_347, %get3A_348] {strides = array<i32>} : memref<16x256xf32, #tpu.memory_space<vmem>>, vector<16xf32>,
        %mul3A_350 = arith.mulf %get3A_346, %get3A_349 : vector<16xf32>
        %add3A_351 = arith.addf %mul3A_321, %mul3A_350 : vector<16xf32>
        %get3A_352 = arith.index_cast %add3A_308 : i32 to index
        %get3A_353 = arith.constant 96 : index
        %get3A_354 = tpu.vector_load %arg9[%get3A_352, %get3A_353] {strides = array<i32>} : memref<16x256xf32, #tpu.memory_space<vmem>>, vector<16xf32>,
        %get3A_355 = arith.index_cast %add3A_308 : i32 to index
        %get3A_356 = arith.constant 96 : index
        %get3A_357 = tpu.vector_load %arg10[%get3A_355, %get3A_356] {strides = array<i32>} : memref<16x256xf32, #tpu.memory_space<vmem>>, vector<16xf32>,
        %mul3A_358 = arith.mulf %get3A_354, %get3A_357 : vector<16xf32>
        %add3A_359 = arith.addf %mul3A_328, %mul3A_358 : vector<16xf32>
        %get3A_360 = arith.index_cast %add3A_308 : i32 to index
        %get3A_361 = arith.constant 112 : index
        %get3A_362 = tpu.vector_load %arg9[%get3A_360, %get3A_361] {strides = array<i32>} : memref<16x256xf32, #tpu.memory_space<vmem>>, vector<16xf32>,
        %get3A_363 = arith.index_cast %add3A_308 : i32 to index
        %get3A_364 = arith.constant 112 : index
        %get3A_365 = tpu.vector_load %arg10[%get3A_363, %get3A_364] {strides = array<i32>} : memref<16x256xf32, #tpu.memory_space<vmem>>, vector<16xf32>,
        %mul3A_366 = arith.mulf %get3A_362, %get3A_365 : vector<16xf32>
        %add3A_367 = arith.addf %mul3A_335, %mul3A_366 : vector<16xf32>
        %get3A_368 = arith.index_cast %add3A_308 : i32 to index
        %get3A_369 = arith.constant 128 : index
        %get3A_370 = tpu.vector_load %arg9[%get3A_368, %get3A_369] {strides = array<i32>} : memref<16x256xf32, #tpu.memory_space<vmem>>, vector<16xf32>,
        %get3A_371 = arith.index_cast %add3A_308 : i32 to index
        %get3A_372 = arith.constant 128 : index
        %get3A_373 = tpu.vector_load %arg10[%get3A_371, %get3A_372] {strides = array<i32>} : memref<16x256xf32, #tpu.memory_space<vmem>>, vector<16xf32>,
        %mul3A_374 = arith.mulf %get3A_370, %get3A_373 : vector<16xf32>
        %add3A_375 = arith.addf %add3A_343, %mul3A_374 : vector<16xf32>
        %get3A_376 = arith.index_cast %add3A_308 : i32 to index
        %get3A_377 = arith.constant 144 : index
        %get3A_378 = tpu.vector_load %arg9[%get3A_376, %get3A_377] {strides = array<i32>} : memref<16x256xf32, #tpu.memory_space<vmem>>, vector<16xf32>,
        %get3A_379 = arith.index_cast %add3A_308 : i32 to index
        %get3A_380 = arith.constant 144 : index
        %get3A_381 = tpu.vector_load %arg10[%get3A_379, %get3A_380] {strides = array<i32>} : memref<16x256xf32, #tpu.memory_space<vmem>>, vector<16xf32>,
        %mul3A_382 = arith.mulf %get3A_378, %get3A_381 : vector<16xf32>
        %add3A_383 = arith.addf %add3A_351, %mul3A_382 : vector<16xf32>
        %get3A_384 = arith.index_cast %add3A_308 : i32 to index
        %get3A_385 = arith.constant 160 : index
        %get3A_386 = tpu.vector_load %arg9[%get3A_384, %get3A_385] {strides = array<i32>} : memref<16x256xf32, #tpu.memory_space<vmem>>, vector<16xf32>,
        %get3A_387 = arith.index_cast %add3A_308 : i32 to index
        %get3A_388 = arith.constant 160 : index
        %get3A_389 = tpu.vector_load %arg10[%get3A_387, %get3A_388] {strides = array<i32>} : memref<16x256xf32, #tpu.memory_space<vmem>>, vector<16xf32>,
        %mul3A_390 = arith.mulf %get3A_386, %get3A_389 : vector<16xf32>
        %add3A_391 = arith.addf %add3A_359, %mul3A_390 : vector<16xf32>
        %get3A_392 = arith.index_cast %add3A_308 : i32 to index
        %get3A_393 = arith.constant 176 : index
        %get3A_394 = tpu.vector_load %arg9[%get3A_392, %get3A_393] {strides = array<i32>} : memref<16x256xf32, #tpu.memory_space<vmem>>, vector<16xf32>,
        %get3A_395 = arith.index_cast %add3A_308 : i32 to index
        %get3A_396 = arith.constant 176 : index
        %get3A_397 = tpu.vector_load %arg10[%get3A_395, %get3A_396] {strides = array<i32>} : memref<16x256xf32, #tpu.memory_space<vmem>>, vector<16xf32>,
        %mul3A_398 = arith.mulf %get3A_394, %get3A_397 : vector<16xf32>
        %add3A_399 = arith.addf %add3A_367, %mul3A_398 : vector<16xf32>
        %get3A_400 = arith.index_cast %add3A_308 : i32 to index
        %get3A_401 = arith.constant 192 : index
        %get3A_402 = tpu.vector_load %arg9[%get3A_400, %get3A_401] {strides = array<i32>} : memref<16x256xf32, #tpu.memory_space<vmem>>, vector<16xf32>,
        %get3A_403 = arith.index_cast %add3A_308 : i32 to index
        %get3A_404 = arith.constant 192 : index
        %get3A_405 = tpu.vector_load %arg10[%get3A_403, %get3A_404] {strides = array<i32>} : memref<16x256xf32, #tpu.memory_space<vmem>>, vector<16xf32>,
        %mul3A_406 = arith.mulf %get3A_402, %get3A_405 : vector<16xf32>
        %add3A_407 = arith.addf %add3A_375, %mul3A_406 : vector<16xf32>
        %get3A_408 = arith.index_cast %add3A_308 : i32 to index
        %get3A_409 = arith.constant 208 : index
        %get3A_410 = tpu.vector_load %arg9[%get3A_408, %get3A_409] {strides = array<i32>} : memref<16x256xf32, #tpu.memory_space<vmem>>, vector<16xf32>,
        %get3A_411 = arith.index_cast %add3A_308 : i32 to index
        %get3A_412 = arith.constant 208 : index
        %get3A_413 = tpu.vector_load %arg10[%get3A_411, %get3A_412] {strides = array<i32>} : memref<16x256xf32, #tpu.memory_space<vmem>>, vector<16xf32>,
        %mul3A_414 = arith.mulf %get3A_410, %get3A_413 : vector<16xf32>
        %add3A_415 = arith.addf %add3A_383, %mul3A_414 : vector<16xf32>
        %get3A_416 = arith.index_cast %add3A_308 : i32 to index
        %get3A_417 = arith.constant 224 : index
        %get3A_418 = tpu.vector_load %arg9[%get3A_416, %get3A_417] {strides = array<i32>} : memref<16x256xf32, #tpu.memory_space<vmem>>, vector<16xf32>,
        %get3A_419 = arith.index_cast %add3A_308 : i32 to index
        %get3A_420 = arith.constant 224 : index
        %get3A_421 = tpu.vector_load %arg10[%get3A_419, %get3A_420] {strides = array<i32>} : memref<16x256xf32, #tpu.memory_space<vmem>>, vector<16xf32>,
        %mul3A_422 = arith.mulf %get3A_418, %get3A_421 : vector<16xf32>
        %add3A_423 = arith.addf %add3A_391, %mul3A_422 : vector<16xf32>
        %get3A_424 = arith.index_cast %add3A_308 : i32 to index
        %get3A_425 = arith.constant 240 : index
        %get3A_426 = tpu.vector_load %arg9[%get3A_424, %get3A_425] {strides = array<i32>} : memref<16x256xf32, #tpu.memory_space<vmem>>, vector<16xf32>,
        %get3A_427 = arith.index_cast %add3A_308 : i32 to index
        %get3A_428 = arith.constant 240 : index
        %get3A_429 = tpu.vector_load %arg10[%get3A_427, %get3A_428] {strides = array<i32>} : memref<16x256xf32, #tpu.memory_space<vmem>>, vector<16xf32>,
        %mul3A_430 = arith.mulf %get3A_426, %get3A_429 : vector<16xf32>
        %add3A_431 = arith.addf %add3A_399, %mul3A_430 : vector<16xf32>
        %add3A_432 = arith.addf %add3A_407, %add3A_415 : vector<16xf32>
        %add3A_433 = arith.addf %add3A_423, %add3A_431 : vector<16xf32>
        %add3A_434 = arith.addf %add3A_432, %add3A_433 : vector<16xf32>
        %broadcast_in_dim3A_435 = vector.shape_cast %xor3A_2 : vector<16xi32> to vector<16x1xi32>
        %gather3A = vector.shape_cast %broadcast_in_dim3A_435 : vector<16x1xi32> to vector<16xi32>
        %gather3A_436 = tpu.dynamic_gather %add3A_434[%gather3A] in [0] : vector<16xf32>, vector<16xi32> -> vector<16xf32>
        %add3A_437 = arith.addf %add3A_434, %gather3A_436 : vector<16xf32>
        %broadcast_in_dim3A_438 = vector.shape_cast %xor3A_5 : vector<16xi32> to vector<16x1xi32>
        %gather3A_439 = vector.shape_cast %broadcast_in_dim3A_438 : vector<16x1xi32> to vector<16xi32>
        %gather3A_440 = tpu.dynamic_gather %add3A_437[%gather3A_439] in [0] : vector<16xf32>, vector<16xi32> -> vector<16xf32>
        %add3A_441 = arith.addf %add3A_437, %gather3A_440 : vector<16xf32>
        %broadcast_in_dim3A_442 = vector.shape_cast %xor3A_8 : vector<16xi32> to vector<16x1xi32>
        %gather3A_443 = vector.shape_cast %broadcast_in_dim3A_442 : vector<16x1xi32> to vector<16xi32>
        %gather3A_444 = tpu.dynamic_gather %add3A_441[%gather3A_443] in [0] : vector<16xf32>, vector<16xi32> -> vector<16xf32>
        %add3A_445 = arith.addf %add3A_441, %gather3A_444 : vector<16xf32>
        %broadcast_in_dim3A_446 = vector.shape_cast %xor3A_11 : vector<16xi32> to vector<16x1xi32>
        %gather3A_447 = vector.shape_cast %broadcast_in_dim3A_446 : vector<16x1xi32> to vector<16xi32>
        %gather3A_448 = tpu.dynamic_gather %add3A_445[%gather3A_447] in [0] : vector<16xf32>, vector<16xi32> -> vector<16xf32>
        %add3A_449 = arith.addf %add3A_445, %gather3A_448 : vector<16xf32>
        %eq3A = vector.broadcast %add3A_305 : i32 to vector<16xi32>
        %eq3A_450 = arith.cmpi eq, %iota3A, %eq3A : vector<16xi32>
        %select_n3A = arith.select %eq3A_450, %add3A_449, %scan3A_301 : vector<16xi1>, vector<16xf32>
        %mul3A_451 = arith.constant 2 : i32
        %mul3A_452 = arith.muli %scan3A_300, %mul3A_451 : i32
        %add3A_453 = arith.constant 1 : i32
        %add3A_454 = arith.addi %mul3A_452, %add3A_453 : i32
        %mul3A_455 = arith.constant 16 : i32
        %mul3A_456 = arith.muli %scan3A_175, %mul3A_455 : i32
        %add3A_457 = arith.addi %mul3A_456, %add3A_454 : i32
        %get3A_458 = arith.index_cast %add3A_457 : i32 to index
        %get3A_459 = arith.constant 0 : index
        %get3A_460 = tpu.vector_load %arg9[%get3A_458, %get3A_459] {strides = array<i32>} : memref<16x256xf32, #tpu.memory_space<vmem>>, vector<16xf32>,
        %get3A_461 = arith.index_cast %add3A_457 : i32 to index
        %get3A_462 = arith.constant 0 : index
        %get3A_463 = tpu.vector_load %arg10[%get3A_461, %get3A_462] {strides = array<i32>} : memref<16x256xf32, #tpu.memory_space<vmem>>, vector<16xf32>,
        %mul3A_464 = arith.mulf %get3A_460, %get3A_463 : vector<16xf32>
        %get3A_465 = arith.index_cast %add3A_457 : i32 to index
        %get3A_466 = arith.constant 16 : index
        %get3A_467 = tpu.vector_load %arg9[%get3A_465, %get3A_466] {strides = array<i32>} : memref<16x256xf32, #tpu.memory_space<vmem>>, vector<16xf32>,
        %get3A_468 = arith.index_cast %add3A_457 : i32 to index
        %get3A_469 = arith.constant 16 : index
        %get3A_470 = tpu.vector_load %arg10[%get3A_468, %get3A_469] {strides = array<i32>} : memref<16x256xf32, #tpu.memory_space<vmem>>, vector<16xf32>,
        %mul3A_471 = arith.mulf %get3A_467, %get3A_470 : vector<16xf32>
        %get3A_472 = arith.index_cast %add3A_457 : i32 to index
        %get3A_473 = arith.constant 32 : index
        %get3A_474 = tpu.vector_load %arg9[%get3A_472, %get3A_473] {strides = array<i32>} : memref<16x256xf32, #tpu.memory_space<vmem>>, vector<16xf32>,
        %get3A_475 = arith.index_cast %add3A_457 : i32 to index
        %get3A_476 = arith.constant 32 : index
        %get3A_477 = tpu.vector_load %arg10[%get3A_475, %get3A_476] {strides = array<i32>} : memref<16x256xf32, #tpu.memory_space<vmem>>, vector<16xf32>,
        %mul3A_478 = arith.mulf %get3A_474, %get3A_477 : vector<16xf32>
        %get3A_479 = arith.index_cast %add3A_457 : i32 to index
        %get3A_480 = arith.constant 48 : index
        %get3A_481 = tpu.vector_load %arg9[%get3A_479, %get3A_480] {strides = array<i32>} : memref<16x256xf32, #tpu.memory_space<vmem>>, vector<16xf32>,
        %get3A_482 = arith.index_cast %add3A_457 : i32 to index
        %get3A_483 = arith.constant 48 : index
        %get3A_484 = tpu.vector_load %arg10[%get3A_482, %get3A_483] {strides = array<i32>} : memref<16x256xf32, #tpu.memory_space<vmem>>, vector<16xf32>,
        %mul3A_485 = arith.mulf %get3A_481, %get3A_484 : vector<16xf32>
        %get3A_486 = arith.index_cast %add3A_457 : i32 to index
        %get3A_487 = arith.constant 64 : index
        %get3A_488 = tpu.vector_load %arg9[%get3A_486, %get3A_487] {strides = array<i32>} : memref<16x256xf32, #tpu.memory_space<vmem>>, vector<16xf32>,
        %get3A_489 = arith.index_cast %add3A_457 : i32 to index
        %get3A_490 = arith.constant 64 : index
        %get3A_491 = tpu.vector_load %arg10[%get3A_489, %get3A_490] {strides = array<i32>} : memref<16x256xf32, #tpu.memory_space<vmem>>, vector<16xf32>,
        %mul3A_492 = arith.mulf %get3A_488, %get3A_491 : vector<16xf32>
        %add3A_493 = arith.addf %mul3A_464, %mul3A_492 : vector<16xf32>
        %get3A_494 = arith.index_cast %add3A_457 : i32 to index
        %get3A_495 = arith.constant 80 : index
        %get3A_496 = tpu.vector_load %arg9[%get3A_494, %get3A_495] {strides = array<i32>} : memref<16x256xf32, #tpu.memory_space<vmem>>, vector<16xf32>,
        %get3A_497 = arith.index_cast %add3A_457 : i32 to index
        %get3A_498 = arith.constant 80 : index
        %get3A_499 = tpu.vector_load %arg10[%get3A_497, %get3A_498] {strides = array<i32>} : memref<16x256xf32, #tpu.memory_space<vmem>>, vector<16xf32>,
        %mul3A_500 = arith.mulf %get3A_496, %get3A_499 : vector<16xf32>
        %add3A_501 = arith.addf %mul3A_471, %mul3A_500 : vector<16xf32>
        %get3A_502 = arith.index_cast %add3A_457 : i32 to index
        %get3A_503 = arith.constant 96 : index
        %get3A_504 = tpu.vector_load %arg9[%get3A_502, %get3A_503] {strides = array<i32>} : memref<16x256xf32, #tpu.memory_space<vmem>>, vector<16xf32>,
        %get3A_505 = arith.index_cast %add3A_457 : i32 to index
        %get3A_506 = arith.constant 96 : index
        %get3A_507 = tpu.vector_load %arg10[%get3A_505, %get3A_506] {strides = array<i32>} : memref<16x256xf32, #tpu.memory_space<vmem>>, vector<16xf32>,
        %mul3A_508 = arith.mulf %get3A_504, %get3A_507 : vector<16xf32>
        %add3A_509 = arith.addf %mul3A_478, %mul3A_508 : vector<16xf32>
        %get3A_510 = arith.index_cast %add3A_457 : i32 to index
        %get3A_511 = arith.constant 112 : index
        %get3A_512 = tpu.vector_load %arg9[%get3A_510, %get3A_511] {strides = array<i32>} : memref<16x256xf32, #tpu.memory_space<vmem>>, vector<16xf32>,
        %get3A_513 = arith.index_cast %add3A_457 : i32 to index
        %get3A_514 = arith.constant 112 : index
        %get3A_515 = tpu.vector_load %arg10[%get3A_513, %get3A_514] {strides = array<i32>} : memref<16x256xf32, #tpu.memory_space<vmem>>, vector<16xf32>,
        %mul3A_516 = arith.mulf %get3A_512, %get3A_515 : vector<16xf32>
        %add3A_517 = arith.addf %mul3A_485, %mul3A_516 : vector<16xf32>
        %get3A_518 = arith.index_cast %add3A_457 : i32 to index
        %get3A_519 = arith.constant 128 : index
        %get3A_520 = tpu.vector_load %arg9[%get3A_518, %get3A_519] {strides = array<i32>} : memref<16x256xf32, #tpu.memory_space<vmem>>, vector<16xf32>,
        %get3A_521 = arith.index_cast %add3A_457 : i32 to index
        %get3A_522 = arith.constant 128 : index
        %get3A_523 = tpu.vector_load %arg10[%get3A_521, %get3A_522] {strides = array<i32>} : memref<16x256xf32, #tpu.memory_space<vmem>>, vector<16xf32>,
        %mul3A_524 = arith.mulf %get3A_520, %get3A_523 : vector<16xf32>
        %add3A_525 = arith.addf %add3A_493, %mul3A_524 : vector<16xf32>
        %get3A_526 = arith.index_cast %add3A_457 : i32 to index
        %get3A_527 = arith.constant 144 : index
        %get3A_528 = tpu.vector_load %arg9[%get3A_526, %get3A_527] {strides = array<i32>} : memref<16x256xf32, #tpu.memory_space<vmem>>, vector<16xf32>,
        %get3A_529 = arith.index_cast %add3A_457 : i32 to index
        %get3A_530 = arith.constant 144 : index
        %get3A_531 = tpu.vector_load %arg10[%get3A_529, %get3A_530] {strides = array<i32>} : memref<16x256xf32, #tpu.memory_space<vmem>>, vector<16xf32>,
        %mul3A_532 = arith.mulf %get3A_528, %get3A_531 : vector<16xf32>
        %add3A_533 = arith.addf %add3A_501, %mul3A_532 : vector<16xf32>
        %get3A_534 = arith.index_cast %add3A_457 : i32 to index
        %get3A_535 = arith.constant 160 : index
        %get3A_536 = tpu.vector_load %arg9[%get3A_534, %get3A_535] {strides = array<i32>} : memref<16x256xf32, #tpu.memory_space<vmem>>, vector<16xf32>,
        %get3A_537 = arith.index_cast %add3A_457 : i32 to index
        %get3A_538 = arith.constant 160 : index
        %get3A_539 = tpu.vector_load %arg10[%get3A_537, %get3A_538] {strides = array<i32>} : memref<16x256xf32, #tpu.memory_space<vmem>>, vector<16xf32>,
        %mul3A_540 = arith.mulf %get3A_536, %get3A_539 : vector<16xf32>
        %add3A_541 = arith.addf %add3A_509, %mul3A_540 : vector<16xf32>
        %get3A_542 = arith.index_cast %add3A_457 : i32 to index
        %get3A_543 = arith.constant 176 : index
        %get3A_544 = tpu.vector_load %arg9[%get3A_542, %get3A_543] {strides = array<i32>} : memref<16x256xf32, #tpu.memory_space<vmem>>, vector<16xf32>,
        %get3A_545 = arith.index_cast %add3A_457 : i32 to index
        %get3A_546 = arith.constant 176 : index
        %get3A_547 = tpu.vector_load %arg10[%get3A_545, %get3A_546] {strides = array<i32>} : memref<16x256xf32, #tpu.memory_space<vmem>>, vector<16xf32>,
        %mul3A_548 = arith.mulf %get3A_544, %get3A_547 : vector<16xf32>
        %add3A_549 = arith.addf %add3A_517, %mul3A_548 : vector<16xf32>
        %get3A_550 = arith.index_cast %add3A_457 : i32 to index
        %get3A_551 = arith.constant 192 : index
        %get3A_552 = tpu.vector_load %arg9[%get3A_550, %get3A_551] {strides = array<i32>} : memref<16x256xf32, #tpu.memory_space<vmem>>, vector<16xf32>,
        %get3A_553 = arith.index_cast %add3A_457 : i32 to index
        %get3A_554 = arith.constant 192 : index
        %get3A_555 = tpu.vector_load %arg10[%get3A_553, %get3A_554] {strides = array<i32>} : memref<16x256xf32, #tpu.memory_space<vmem>>, vector<16xf32>,
        %mul3A_556 = arith.mulf %get3A_552, %get3A_555 : vector<16xf32>
        %add3A_557 = arith.addf %add3A_525, %mul3A_556 : vector<16xf32>
        %get3A_558 = arith.index_cast %add3A_457 : i32 to index
        %get3A_559 = arith.constant 208 : index
        %get3A_560 = tpu.vector_load %arg9[%get3A_558, %get3A_559] {strides = array<i32>} : memref<16x256xf32, #tpu.memory_space<vmem>>, vector<16xf32>,
        %get3A_561 = arith.index_cast %add3A_457 : i32 to index
        %get3A_562 = arith.constant 208 : index
        %get3A_563 = tpu.vector_load %arg10[%get3A_561, %get3A_562] {strides = array<i32>} : memref<16x256xf32, #tpu.memory_space<vmem>>, vector<16xf32>,
        %mul3A_564 = arith.mulf %get3A_560, %get3A_563 : vector<16xf32>
        %add3A_565 = arith.addf %add3A_533, %mul3A_564 : vector<16xf32>
        %get3A_566 = arith.index_cast %add3A_457 : i32 to index
        %get3A_567 = arith.constant 224 : index
        %get3A_568 = tpu.vector_load %arg9[%get3A_566, %get3A_567] {strides = array<i32>} : memref<16x256xf32, #tpu.memory_space<vmem>>, vector<16xf32>,
        %get3A_569 = arith.index_cast %add3A_457 : i32 to index
        %get3A_570 = arith.constant 224 : index
        %get3A_571 = tpu.vector_load %arg10[%get3A_569, %get3A_570] {strides = array<i32>} : memref<16x256xf32, #tpu.memory_space<vmem>>, vector<16xf32>,
        %mul3A_572 = arith.mulf %get3A_568, %get3A_571 : vector<16xf32>
        %add3A_573 = arith.addf %add3A_541, %mul3A_572 : vector<16xf32>
        %get3A_574 = arith.index_cast %add3A_457 : i32 to index
        %get3A_575 = arith.constant 240 : index
        %get3A_576 = tpu.vector_load %arg9[%get3A_574, %get3A_575] {strides = array<i32>} : memref<16x256xf32, #tpu.memory_space<vmem>>, vector<16xf32>,
        %get3A_577 = arith.index_cast %add3A_457 : i32 to index
        %get3A_578 = arith.constant 240 : index
        %get3A_579 = tpu.vector_load %arg10[%get3A_577, %get3A_578] {strides = array<i32>} : memref<16x256xf32, #tpu.memory_space<vmem>>, vector<16xf32>,
        %mul3A_580 = arith.mulf %get3A_576, %get3A_579 : vector<16xf32>
        %add3A_581 = arith.addf %add3A_549, %mul3A_580 : vector<16xf32>
        %add3A_582 = arith.addf %add3A_557, %add3A_565 : vector<16xf32>
        %add3A_583 = arith.addf %add3A_573, %add3A_581 : vector<16xf32>
        %add3A_584 = arith.addf %add3A_582, %add3A_583 : vector<16xf32>
        %broadcast_in_dim3A_585 = vector.shape_cast %xor3A_2 : vector<16xi32> to vector<16x1xi32>
        %gather3A_586 = vector.shape_cast %broadcast_in_dim3A_585 : vector<16x1xi32> to vector<16xi32>
        %gather3A_587 = tpu.dynamic_gather %add3A_584[%gather3A_586] in [0] : vector<16xf32>, vector<16xi32> -> vector<16xf32>
        %add3A_588 = arith.addf %add3A_584, %gather3A_587 : vector<16xf32>
        %broadcast_in_dim3A_589 = vector.shape_cast %xor3A_5 : vector<16xi32> to vector<16x1xi32>
        %gather3A_590 = vector.shape_cast %broadcast_in_dim3A_589 : vector<16x1xi32> to vector<16xi32>
        %gather3A_591 = tpu.dynamic_gather %add3A_588[%gather3A_590] in [0] : vector<16xf32>, vector<16xi32> -> vector<16xf32>
        %add3A_592 = arith.addf %add3A_588, %gather3A_591 : vector<16xf32>
        %broadcast_in_dim3A_593 = vector.shape_cast %xor3A_8 : vector<16xi32> to vector<16x1xi32>
        %gather3A_594 = vector.shape_cast %broadcast_in_dim3A_593 : vector<16x1xi32> to vector<16xi32>
        %gather3A_595 = tpu.dynamic_gather %add3A_592[%gather3A_594] in [0] : vector<16xf32>, vector<16xi32> -> vector<16xf32>
        %add3A_596 = arith.addf %add3A_592, %gather3A_595 : vector<16xf32>
        %broadcast_in_dim3A_597 = vector.shape_cast %xor3A_11 : vector<16xi32> to vector<16x1xi32>
        %gather3A_598 = vector.shape_cast %broadcast_in_dim3A_597 : vector<16x1xi32> to vector<16xi32>
        %gather3A_599 = tpu.dynamic_gather %add3A_596[%gather3A_598] in [0] : vector<16xf32>, vector<16xi32> -> vector<16xf32>
        %add3A_600 = arith.addf %add3A_596, %gather3A_599 : vector<16xf32>
        %eq3A_601 = vector.broadcast %add3A_454 : i32 to vector<16xi32>
        %eq3A_602 = arith.cmpi eq, %iota3A, %eq3A_601 : vector<16xi32>
        %select_n3A_603 = arith.select %eq3A_602, %add3A_600, %select_n3A : vector<16xi1>, vector<16xf32>
        scf.yield %select_n3A_603 : vector<16xf32>
      }
      %scan3A_182 = arith.constant 8 : i32
      %neg3A = arith.constant 0.000000e+00 : f32
      %neg3A_183 = vector.broadcast %neg3A : f32 to vector<16xf32>
      %neg3A_184 = arith.subf %neg3A_183, %scan3A_181 : vector<16xf32>
      %exp3A = math.exp %neg3A_184 : vector<16xf32>
      %add3A_185 = arith.constant 1.000000e+00 : f32
      %add3A_186 = vector.broadcast %add3A_185 : f32 to vector<16xf32>
      %add3A_187 = arith.addf %add3A_186, %exp3A : vector<16xf32>
      %div3A = arith.constant 1.000000e+00 : f32
      %div3A_188 = vector.broadcast %div3A : f32 to vector<16xf32>
      %div3A_189 = arith.divf %div3A_188, %add3A_187 : vector<16xf32>
      %mul3A_190 = arith.constant 16 : i32
      %mul3A_191 = arith.muli %mul3A_99, %mul3A_190 : i32
      %mul3A_192 = arith.constant 16 : i32
      %mul3A_193 = arith.muli %scan3A_175, %mul3A_192 : i32
      %add3A_194 = arith.addi %mul3A_191, %mul3A_193 : i32
      %swap3A = arith.index_cast %add3A_194 : i32 to index
      %swap3A_195 = tpu.vector_load %arg13[%swap3A] {strides = array<i32>} : memref<5024xf32, #tpu.memory_space<vmem>>, vector<16xf32>,
      tpu.vector_store %arg13[%swap3A], %div3A_189 {strides = array<i32>} : memref<5024xf32, #tpu.memory_space<vmem>>, vector<16xf32>,
      %scan3A_196 = arith.constant 1 : i32
      %add3A_197 = arith.constant 1 : i32
      %add3A_198 = arith.addi %add3A_101, %add3A_197 : i32
      %min3A = arith.constant 313 : i32
      %min3A_199 = arith.minsi %add3A_198, %min3A : i32
      %dma_start3A_200 = arith.constant 0 : i32
      %dma_start3A_201 = arith.constant 0 : i32
      %dma_start3A_202 = tpu.memref_slice %arg9[%dma_start3A_200, %dma_start3A_201] : memref<16x256xf32, #tpu.memory_space<vmem>> -> memref<8x256xf32, #tpu.memory_space<vmem>>
      %dma_start3A_203 = arith.constant 0 : i32
      %dma_start3A_204 = tpu.memref_slice %arg7[%min3A_199, %dma_start3A_203] : memref<314x16xi32, #tpu.memory_space<vmem>> -> memref<1x8xi32, #tpu.memory_space<vmem>>
      %dma_start3A_205 = tpu.memref_squeeze %dma_start3A_204 : memref<1x8xi32, #tpu.memory_space<vmem>> -> memref<8xi32, #tpu.memory_space<vmem>>
      %dma_start3A_206 = arith.constant 0 : i32
      %dma_start3A_207 = arith.constant 0 : i32
      %dma_start3A_208 = tpu.memref_slice %arg2[%dma_start3A_206, %dma_start3A_207] : memref<10000x256xf32, #tpu.memory_space<hbm>> -> memref<10000x256xf32, #tpu.memory_space<hbm>>
      tpu.enqueue_indirect_dma source(%dma_start3A_208 : memref<10000x256xf32, #tpu.memory_space<hbm>>) target(%dma_start3A_202 : memref<8x256xf32, #tpu.memory_space<vmem>>) offsets(%dma_start3A_205 : memref<8xi32, #tpu.memory_space<vmem>>) semaphore(%arg14 : memref<!tpu.dma_semaphore, #tpu.memory_space<semaphore_mem>>)
      %dma_start3A_209 = arith.constant 8 : i32
      %dma_start3A_210 = arith.constant 0 : i32
      %dma_start3A_211 = tpu.memref_slice %arg9[%dma_start3A_209, %dma_start3A_210] : memref<16x256xf32, #tpu.memory_space<vmem>> -> memref<8x256xf32, #tpu.memory_space<vmem>>
      %dma_start3A_212 = arith.constant 8 : i32
      %dma_start3A_213 = tpu.memref_slice %arg7[%min3A_199, %dma_start3A_212] : memref<314x16xi32, #tpu.memory_space<vmem>> -> memref<1x8xi32, #tpu.memory_space<vmem>>
      %dma_start3A_214 = tpu.memref_squeeze %dma_start3A_213 : memref<1x8xi32, #tpu.memory_space<vmem>> -> memref<8xi32, #tpu.memory_space<vmem>>
      %dma_start3A_215 = arith.constant 0 : i32
      %dma_start3A_216 = arith.constant 0 : i32
      %dma_start3A_217 = tpu.memref_slice %arg2[%dma_start3A_215, %dma_start3A_216] : memref<10000x256xf32, #tpu.memory_space<hbm>> -> memref<10000x256xf32, #tpu.memory_space<hbm>>
      tpu.enqueue_indirect_dma source(%dma_start3A_217 : memref<10000x256xf32, #tpu.memory_space<hbm>>) target(%dma_start3A_211 : memref<8x256xf32, #tpu.memory_space<vmem>>) offsets(%dma_start3A_214 : memref<8xi32, #tpu.memory_space<vmem>>) semaphore(%arg14 : memref<!tpu.dma_semaphore, #tpu.memory_space<semaphore_mem>>)
      %dma_start3A_218 = arith.constant 0 : i32
      %dma_start3A_219 = arith.constant 0 : i32
      %dma_start3A_220 = tpu.memref_slice %arg10[%dma_start3A_218, %dma_start3A_219] : memref<16x256xf32, #tpu.memory_space<vmem>> -> memref<8x256xf32, #tpu.memory_space<vmem>>
      %dma_start3A_221 = arith.constant 0 : i32
      %dma_start3A_222 = tpu.memref_slice %arg8[%min3A_199, %dma_start3A_221] : memref<314x16xi32, #tpu.memory_space<vmem>> -> memref<1x8xi32, #tpu.memory_space<vmem>>
      %dma_start3A_223 = tpu.memref_squeeze %dma_start3A_222 : memref<1x8xi32, #tpu.memory_space<vmem>> -> memref<8xi32, #tpu.memory_space<vmem>>
      %dma_start3A_224 = arith.constant 0 : i32
      %dma_start3A_225 = arith.constant 0 : i32
      %dma_start3A_226 = tpu.memref_slice %arg3[%dma_start3A_224, %dma_start3A_225] : memref<10000x256xf32, #tpu.memory_space<hbm>> -> memref<10000x256xf32, #tpu.memory_space<hbm>>
      tpu.enqueue_indirect_dma source(%dma_start3A_226 : memref<10000x256xf32, #tpu.memory_space<hbm>>) target(%dma_start3A_220 : memref<8x256xf32, #tpu.memory_space<vmem>>) offsets(%dma_start3A_223 : memref<8xi32, #tpu.memory_space<vmem>>) semaphore(%arg14 : memref<!tpu.dma_semaphore, #tpu.memory_space<semaphore_mem>>)
      %dma_start3A_227 = arith.constant 8 : i32
      %dma_start3A_228 = arith.constant 0 : i32
      %dma_start3A_229 = tpu.memref_slice %arg10[%dma_start3A_227, %dma_start3A_228] : memref<16x256xf32, #tpu.memory_space<vmem>> -> memref<8x256xf32, #tpu.memory_space<vmem>>
      %dma_start3A_230 = arith.constant 8 : i32
      %dma_start3A_231 = tpu.memref_slice %arg8[%min3A_199, %dma_start3A_230] : memref<314x16xi32, #tpu.memory_space<vmem>> -> memref<1x8xi32, #tpu.memory_space<vmem>>
      %dma_start3A_232 = tpu.memref_squeeze %dma_start3A_231 : memref<1x8xi32, #tpu.memory_space<vmem>> -> memref<8xi32, #tpu.memory_space<vmem>>
      %dma_start3A_233 = arith.constant 0 : i32
      %dma_start3A_234 = arith.constant 0 : i32
      %dma_start3A_235 = tpu.memref_slice %arg3[%dma_start3A_233, %dma_start3A_234] : memref<10000x256xf32, #tpu.memory_space<hbm>> -> memref<10000x256xf32, #tpu.memory_space<hbm>>
      tpu.enqueue_indirect_dma source(%dma_start3A_235 : memref<10000x256xf32, #tpu.memory_space<hbm>>) target(%dma_start3A_229 : memref<8x256xf32, #tpu.memory_space<vmem>>) offsets(%dma_start3A_232 : memref<8xi32, #tpu.memory_space<vmem>>) semaphore(%arg14 : memref<!tpu.dma_semaphore, #tpu.memory_space<semaphore_mem>>)
      %dma_wait3A_236 = arith.constant 0 : i32
      %dma_wait3A_237 = arith.constant 0 : i32
      %dma_wait3A_238 = tpu.memref_slice %arg11[%dma_wait3A_236, %dma_wait3A_237] : memref<16x256xf32, #tpu.memory_space<vmem>> -> memref<8x256xf32, #tpu.memory_space<vmem>>
      %dma_wait3A_239 = arith.constant 0 : i32
      %dma_wait3A_240 = tpu.memref_slice %arg7[%add3A_101, %dma_wait3A_239] : memref<314x16xi32, #tpu.memory_space<vmem>> -> memref<1x8xi32, #tpu.memory_space<vmem>>
      %dma_wait3A_241 = tpu.memref_squeeze %dma_wait3A_240 : memref<1x8xi32, #tpu.memory_space<vmem>> -> memref<8xi32, #tpu.memory_space<vmem>>
      %dma_wait3A_242 = arith.constant 0 : i32
      %dma_wait3A_243 = arith.constant 0 : i32
      %dma_wait3A_244 = tpu.memref_slice %arg2[%dma_wait3A_242, %dma_wait3A_243] : memref<10000x256xf32, #tpu.memory_space<hbm>> -> memref<10000x256xf32, #tpu.memory_space<hbm>>
      tpu.wait_indirect_dma semaphore(%arg15 : memref<!tpu.dma_semaphore, #tpu.memory_space<semaphore_mem>>) src(%dma_wait3A_244 : memref<10000x256xf32, #tpu.memory_space<hbm>>) dst(%dma_wait3A_238 : memref<8x256xf32, #tpu.memory_space<vmem>>)
      %dma_wait3A_245 = arith.constant 8 : i32
      %dma_wait3A_246 = arith.constant 0 : i32
      %dma_wait3A_247 = tpu.memref_slice %arg11[%dma_wait3A_245, %dma_wait3A_246] : memref<16x256xf32, #tpu.memory_space<vmem>> -> memref<8x256xf32, #tpu.memory_space<vmem>>
      %dma_wait3A_248 = arith.constant 8 : i32
      %dma_wait3A_249 = tpu.memref_slice %arg7[%add3A_101, %dma_wait3A_248] : memref<314x16xi32, #tpu.memory_space<vmem>> -> memref<1x8xi32, #tpu.memory_space<vmem>>
      %dma_wait3A_250 = tpu.memref_squeeze %dma_wait3A_249 : memref<1x8xi32, #tpu.memory_space<vmem>> -> memref<8xi32, #tpu.memory_space<vmem>>
      %dma_wait3A_251 = arith.constant 0 : i32
      %dma_wait3A_252 = arith.constant 0 : i32
      %dma_wait3A_253 = tpu.memref_slice %arg2[%dma_wait3A_251, %dma_wait3A_252] : memref<10000x256xf32, #tpu.memory_space<hbm>> -> memref<10000x256xf32, #tpu.memory_space<hbm>>
      tpu.wait_indirect_dma semaphore(%arg15 : memref<!tpu.dma_semaphore, #tpu.memory_space<semaphore_mem>>) src(%dma_wait3A_253 : memref<10000x256xf32, #tpu.memory_space<hbm>>) dst(%dma_wait3A_247 : memref<8x256xf32, #tpu.memory_space<vmem>>)
      %dma_wait3A_254 = arith.constant 0 : i32
      %dma_wait3A_255 = arith.constant 0 : i32
      %dma_wait3A_256 = tpu.memref_slice %arg12[%dma_wait3A_254, %dma_wait3A_255] : memref<16x256xf32, #tpu.memory_space<vmem>> -> memref<8x256xf32, #tpu.memory_space<vmem>>
      %dma_wait3A_257 = arith.constant 0 : i32
      %dma_wait3A_258 = tpu.memref_slice %arg8[%add3A_101, %dma_wait3A_257] : memref<314x16xi32, #tpu.memory_space<vmem>> -> memref<1x8xi32, #tpu.memory_space<vmem>>
      %dma_wait3A_259 = tpu.memref_squeeze %dma_wait3A_258 : memref<1x8xi32, #tpu.memory_space<vmem>> -> memref<8xi32, #tpu.memory_space<vmem>>
      %dma_wait3A_260 = arith.constant 0 : i32
      %dma_wait3A_261 = arith.constant 0 : i32
      %dma_wait3A_262 = tpu.memref_slice %arg3[%dma_wait3A_260, %dma_wait3A_261] : memref<10000x256xf32, #tpu.memory_space<hbm>> -> memref<10000x256xf32, #tpu.memory_space<hbm>>
      tpu.wait_indirect_dma semaphore(%arg15 : memref<!tpu.dma_semaphore, #tpu.memory_space<semaphore_mem>>) src(%dma_wait3A_262 : memref<10000x256xf32, #tpu.memory_space<hbm>>) dst(%dma_wait3A_256 : memref<8x256xf32, #tpu.memory_space<vmem>>)
      %dma_wait3A_263 = arith.constant 8 : i32
      %dma_wait3A_264 = arith.constant 0 : i32
      %dma_wait3A_265 = tpu.memref_slice %arg12[%dma_wait3A_263, %dma_wait3A_264] : memref<16x256xf32, #tpu.memory_space<vmem>> -> memref<8x256xf32, #tpu.memory_space<vmem>>
      %dma_wait3A_266 = arith.constant 8 : i32
      %dma_wait3A_267 = tpu.memref_slice %arg8[%add3A_101, %dma_wait3A_266] : memref<314x16xi32, #tpu.memory_space<vmem>> -> memref<1x8xi32, #tpu.memory_space<vmem>>
      %dma_wait3A_268 = tpu.memref_squeeze %dma_wait3A_267 : memref<1x8xi32, #tpu.memory_space<vmem>> -> memref<8xi32, #tpu.memory_space<vmem>>
      %dma_wait3A_269 = arith.constant 0 : i32
      %dma_wait3A_270 = arith.constant 0 : i32
      %dma_wait3A_271 = tpu.memref_slice %arg3[%dma_wait3A_269, %dma_wait3A_270] : memref<10000x256xf32, #tpu.memory_space<hbm>> -> memref<10000x256xf32, #tpu.memory_space<hbm>>
      tpu.wait_indirect_dma semaphore(%arg15 : memref<!tpu.dma_semaphore, #tpu.memory_space<semaphore_mem>>) src(%dma_wait3A_271 : memref<10000x256xf32, #tpu.memory_space<hbm>>) dst(%dma_wait3A_265 : memref<8x256xf32, #tpu.memory_space<vmem>>)
      %scan3A_272 = arith.constant 0 : i32
      %scan3A_273 = arith.constant 0 : i32
      %broadcast_in_dim3A_274 = arith.constant 0.000000e+00 : f32
      %broadcast_in_dim3A_275 = vector.broadcast %broadcast_in_dim3A_274 : f32 to vector<16xf32>
      %scan3A_276 = arith.constant 0 : i32
      %scan3A_277 = arith.constant 8 : i32
      %scan3A_278 = arith.addi %scan3A_276, %scan3A_277 : i32
      %scan3A_279 = arith.constant 1 : i32
      %scan3A_280 = scf.for %scan3A_300 = %scan3A_276 to %scan3A_278 step %scan3A_279 iter_args(%scan3A_301 = %broadcast_in_dim3A_275) -> (vector<16xf32>)  : i32 {
        %mul3A_302 = arith.constant 2 : i32
        %mul3A_303 = arith.muli %scan3A_300, %mul3A_302 : i32
        %add3A_304 = arith.constant 0 : i32
        %add3A_305 = arith.addi %mul3A_303, %add3A_304 : i32
        %mul3A_306 = arith.constant 16 : i32
        %mul3A_307 = arith.muli %scan3A_273, %mul3A_306 : i32
        %add3A_308 = arith.addi %mul3A_307, %add3A_305 : i32
        %get3A = arith.index_cast %add3A_308 : i32 to index
        %get3A_309 = arith.constant 0 : index
        %get3A_310 = tpu.vector_load %arg11[%get3A, %get3A_309] {strides = array<i32>} : memref<16x256xf32, #tpu.memory_space<vmem>>, vector<16xf32>,
        %get3A_311 = arith.index_cast %add3A_308 : i32 to index
        %get3A_312 = arith.constant 0 : index
        %get3A_313 = tpu.vector_load %arg12[%get3A_311, %get3A_312] {strides = array<i32>} : memref<16x256xf32, #tpu.memory_space<vmem>>, vector<16xf32>,
        %mul3A_314 = arith.mulf %get3A_310, %get3A_313 : vector<16xf32>
        %get3A_315 = arith.index_cast %add3A_308 : i32 to index
        %get3A_316 = arith.constant 16 : index
        %get3A_317 = tpu.vector_load %arg11[%get3A_315, %get3A_316] {strides = array<i32>} : memref<16x256xf32, #tpu.memory_space<vmem>>, vector<16xf32>,
        %get3A_318 = arith.index_cast %add3A_308 : i32 to index
        %get3A_319 = arith.constant 16 : index
        %get3A_320 = tpu.vector_load %arg12[%get3A_318, %get3A_319] {strides = array<i32>} : memref<16x256xf32, #tpu.memory_space<vmem>>, vector<16xf32>,
        %mul3A_321 = arith.mulf %get3A_317, %get3A_320 : vector<16xf32>
        %get3A_322 = arith.index_cast %add3A_308 : i32 to index
        %get3A_323 = arith.constant 32 : index
        %get3A_324 = tpu.vector_load %arg11[%get3A_322, %get3A_323] {strides = array<i32>} : memref<16x256xf32, #tpu.memory_space<vmem>>, vector<16xf32>,
        %get3A_325 = arith.index_cast %add3A_308 : i32 to index
        %get3A_326 = arith.constant 32 : index
        %get3A_327 = tpu.vector_load %arg12[%get3A_325, %get3A_326] {strides = array<i32>} : memref<16x256xf32, #tpu.memory_space<vmem>>, vector<16xf32>,
        %mul3A_328 = arith.mulf %get3A_324, %get3A_327 : vector<16xf32>
        %get3A_329 = arith.index_cast %add3A_308 : i32 to index
        %get3A_330 = arith.constant 48 : index
        %get3A_331 = tpu.vector_load %arg11[%get3A_329, %get3A_330] {strides = array<i32>} : memref<16x256xf32, #tpu.memory_space<vmem>>, vector<16xf32>,
        %get3A_332 = arith.index_cast %add3A_308 : i32 to index
        %get3A_333 = arith.constant 48 : index
        %get3A_334 = tpu.vector_load %arg12[%get3A_332, %get3A_333] {strides = array<i32>} : memref<16x256xf32, #tpu.memory_space<vmem>>, vector<16xf32>,
        %mul3A_335 = arith.mulf %get3A_331, %get3A_334 : vector<16xf32>
        %get3A_336 = arith.index_cast %add3A_308 : i32 to index
        %get3A_337 = arith.constant 64 : index
        %get3A_338 = tpu.vector_load %arg11[%get3A_336, %get3A_337] {strides = array<i32>} : memref<16x256xf32, #tpu.memory_space<vmem>>, vector<16xf32>,
        %get3A_339 = arith.index_cast %add3A_308 : i32 to index
        %get3A_340 = arith.constant 64 : index
        %get3A_341 = tpu.vector_load %arg12[%get3A_339, %get3A_340] {strides = array<i32>} : memref<16x256xf32, #tpu.memory_space<vmem>>, vector<16xf32>,
        %mul3A_342 = arith.mulf %get3A_338, %get3A_341 : vector<16xf32>
        %add3A_343 = arith.addf %mul3A_314, %mul3A_342 : vector<16xf32>
        %get3A_344 = arith.index_cast %add3A_308 : i32 to index
        %get3A_345 = arith.constant 80 : index
        %get3A_346 = tpu.vector_load %arg11[%get3A_344, %get3A_345] {strides = array<i32>} : memref<16x256xf32, #tpu.memory_space<vmem>>, vector<16xf32>,
        %get3A_347 = arith.index_cast %add3A_308 : i32 to index
        %get3A_348 = arith.constant 80 : index
        %get3A_349 = tpu.vector_load %arg12[%get3A_347, %get3A_348] {strides = array<i32>} : memref<16x256xf32, #tpu.memory_space<vmem>>, vector<16xf32>,
        %mul3A_350 = arith.mulf %get3A_346, %get3A_349 : vector<16xf32>
        %add3A_351 = arith.addf %mul3A_321, %mul3A_350 : vector<16xf32>
        %get3A_352 = arith.index_cast %add3A_308 : i32 to index
        %get3A_353 = arith.constant 96 : index
        %get3A_354 = tpu.vector_load %arg11[%get3A_352, %get3A_353] {strides = array<i32>} : memref<16x256xf32, #tpu.memory_space<vmem>>, vector<16xf32>,
        %get3A_355 = arith.index_cast %add3A_308 : i32 to index
        %get3A_356 = arith.constant 96 : index
        %get3A_357 = tpu.vector_load %arg12[%get3A_355, %get3A_356] {strides = array<i32>} : memref<16x256xf32, #tpu.memory_space<vmem>>, vector<16xf32>,
        %mul3A_358 = arith.mulf %get3A_354, %get3A_357 : vector<16xf32>
        %add3A_359 = arith.addf %mul3A_328, %mul3A_358 : vector<16xf32>
        %get3A_360 = arith.index_cast %add3A_308 : i32 to index
        %get3A_361 = arith.constant 112 : index
        %get3A_362 = tpu.vector_load %arg11[%get3A_360, %get3A_361] {strides = array<i32>} : memref<16x256xf32, #tpu.memory_space<vmem>>, vector<16xf32>,
        %get3A_363 = arith.index_cast %add3A_308 : i32 to index
        %get3A_364 = arith.constant 112 : index
        %get3A_365 = tpu.vector_load %arg12[%get3A_363, %get3A_364] {strides = array<i32>} : memref<16x256xf32, #tpu.memory_space<vmem>>, vector<16xf32>,
        %mul3A_366 = arith.mulf %get3A_362, %get3A_365 : vector<16xf32>
        %add3A_367 = arith.addf %mul3A_335, %mul3A_366 : vector<16xf32>
        %get3A_368 = arith.index_cast %add3A_308 : i32 to index
        %get3A_369 = arith.constant 128 : index
        %get3A_370 = tpu.vector_load %arg11[%get3A_368, %get3A_369] {strides = array<i32>} : memref<16x256xf32, #tpu.memory_space<vmem>>, vector<16xf32>,
        %get3A_371 = arith.index_cast %add3A_308 : i32 to index
        %get3A_372 = arith.constant 128 : index
        %get3A_373 = tpu.vector_load %arg12[%get3A_371, %get3A_372] {strides = array<i32>} : memref<16x256xf32, #tpu.memory_space<vmem>>, vector<16xf32>,
        %mul3A_374 = arith.mulf %get3A_370, %get3A_373 : vector<16xf32>
        %add3A_375 = arith.addf %add3A_343, %mul3A_374 : vector<16xf32>
        %get3A_376 = arith.index_cast %add3A_308 : i32 to index
        %get3A_377 = arith.constant 144 : index
        %get3A_378 = tpu.vector_load %arg11[%get3A_376, %get3A_377] {strides = array<i32>} : memref<16x256xf32, #tpu.memory_space<vmem>>, vector<16xf32>,
        %get3A_379 = arith.index_cast %add3A_308 : i32 to index
        %get3A_380 = arith.constant 144 : index
        %get3A_381 = tpu.vector_load %arg12[%get3A_379, %get3A_380] {strides = array<i32>} : memref<16x256xf32, #tpu.memory_space<vmem>>, vector<16xf32>,
        %mul3A_382 = arith.mulf %get3A_378, %get3A_381 : vector<16xf32>
        %add3A_383 = arith.addf %add3A_351, %mul3A_382 : vector<16xf32>
        %get3A_384 = arith.index_cast %add3A_308 : i32 to index
        %get3A_385 = arith.constant 160 : index
        %get3A_386 = tpu.vector_load %arg11[%get3A_384, %get3A_385] {strides = array<i32>} : memref<16x256xf32, #tpu.memory_space<vmem>>, vector<16xf32>,
        %get3A_387 = arith.index_cast %add3A_308 : i32 to index
        %get3A_388 = arith.constant 160 : index
        %get3A_389 = tpu.vector_load %arg12[%get3A_387, %get3A_388] {strides = array<i32>} : memref<16x256xf32, #tpu.memory_space<vmem>>, vector<16xf32>,
        %mul3A_390 = arith.mulf %get3A_386, %get3A_389 : vector<16xf32>
        %add3A_391 = arith.addf %add3A_359, %mul3A_390 : vector<16xf32>
        %get3A_392 = arith.index_cast %add3A_308 : i32 to index
        %get3A_393 = arith.constant 176 : index
        %get3A_394 = tpu.vector_load %arg11[%get3A_392, %get3A_393] {strides = array<i32>} : memref<16x256xf32, #tpu.memory_space<vmem>>, vector<16xf32>,
        %get3A_395 = arith.index_cast %add3A_308 : i32 to index
        %get3A_396 = arith.constant 176 : index
        %get3A_397 = tpu.vector_load %arg12[%get3A_395, %get3A_396] {strides = array<i32>} : memref<16x256xf32, #tpu.memory_space<vmem>>, vector<16xf32>,
        %mul3A_398 = arith.mulf %get3A_394, %get3A_397 : vector<16xf32>
        %add3A_399 = arith.addf %add3A_367, %mul3A_398 : vector<16xf32>
        %get3A_400 = arith.index_cast %add3A_308 : i32 to index
        %get3A_401 = arith.constant 192 : index
        %get3A_402 = tpu.vector_load %arg11[%get3A_400, %get3A_401] {strides = array<i32>} : memref<16x256xf32, #tpu.memory_space<vmem>>, vector<16xf32>,
        %get3A_403 = arith.index_cast %add3A_308 : i32 to index
        %get3A_404 = arith.constant 192 : index
        %get3A_405 = tpu.vector_load %arg12[%get3A_403, %get3A_404] {strides = array<i32>} : memref<16x256xf32, #tpu.memory_space<vmem>>, vector<16xf32>,
        %mul3A_406 = arith.mulf %get3A_402, %get3A_405 : vector<16xf32>
        %add3A_407 = arith.addf %add3A_375, %mul3A_406 : vector<16xf32>
        %get3A_408 = arith.index_cast %add3A_308 : i32 to index
        %get3A_409 = arith.constant 208 : index
        %get3A_410 = tpu.vector_load %arg11[%get3A_408, %get3A_409] {strides = array<i32>} : memref<16x256xf32, #tpu.memory_space<vmem>>, vector<16xf32>,
        %get3A_411 = arith.index_cast %add3A_308 : i32 to index
        %get3A_412 = arith.constant 208 : index
        %get3A_413 = tpu.vector_load %arg12[%get3A_411, %get3A_412] {strides = array<i32>} : memref<16x256xf32, #tpu.memory_space<vmem>>, vector<16xf32>,
        %mul3A_414 = arith.mulf %get3A_410, %get3A_413 : vector<16xf32>
        %add3A_415 = arith.addf %add3A_383, %mul3A_414 : vector<16xf32>
        %get3A_416 = arith.index_cast %add3A_308 : i32 to index
        %get3A_417 = arith.constant 224 : index
        %get3A_418 = tpu.vector_load %arg11[%get3A_416, %get3A_417] {strides = array<i32>} : memref<16x256xf32, #tpu.memory_space<vmem>>, vector<16xf32>,
        %get3A_419 = arith.index_cast %add3A_308 : i32 to index
        %get3A_420 = arith.constant 224 : index
        %get3A_421 = tpu.vector_load %arg12[%get3A_419, %get3A_420] {strides = array<i32>} : memref<16x256xf32, #tpu.memory_space<vmem>>, vector<16xf32>,
        %mul3A_422 = arith.mulf %get3A_418, %get3A_421 : vector<16xf32>
        %add3A_423 = arith.addf %add3A_391, %mul3A_422 : vector<16xf32>
        %get3A_424 = arith.index_cast %add3A_308 : i32 to index
        %get3A_425 = arith.constant 240 : index
        %get3A_426 = tpu.vector_load %arg11[%get3A_424, %get3A_425] {strides = array<i32>} : memref<16x256xf32, #tpu.memory_space<vmem>>, vector<16xf32>,
        %get3A_427 = arith.index_cast %add3A_308 : i32 to index
        %get3A_428 = arith.constant 240 : index
        %get3A_429 = tpu.vector_load %arg12[%get3A_427, %get3A_428] {strides = array<i32>} : memref<16x256xf32, #tpu.memory_space<vmem>>, vector<16xf32>,
        %mul3A_430 = arith.mulf %get3A_426, %get3A_429 : vector<16xf32>
        %add3A_431 = arith.addf %add3A_399, %mul3A_430 : vector<16xf32>
        %add3A_432 = arith.addf %add3A_407, %add3A_415 : vector<16xf32>
        %add3A_433 = arith.addf %add3A_423, %add3A_431 : vector<16xf32>
        %add3A_434 = arith.addf %add3A_432, %add3A_433 : vector<16xf32>
        %broadcast_in_dim3A_435 = vector.shape_cast %xor3A_2 : vector<16xi32> to vector<16x1xi32>
        %gather3A = vector.shape_cast %broadcast_in_dim3A_435 : vector<16x1xi32> to vector<16xi32>
        %gather3A_436 = tpu.dynamic_gather %add3A_434[%gather3A] in [0] : vector<16xf32>, vector<16xi32> -> vector<16xf32>
        %add3A_437 = arith.addf %add3A_434, %gather3A_436 : vector<16xf32>
        %broadcast_in_dim3A_438 = vector.shape_cast %xor3A_5 : vector<16xi32> to vector<16x1xi32>
        %gather3A_439 = vector.shape_cast %broadcast_in_dim3A_438 : vector<16x1xi32> to vector<16xi32>
        %gather3A_440 = tpu.dynamic_gather %add3A_437[%gather3A_439] in [0] : vector<16xf32>, vector<16xi32> -> vector<16xf32>
        %add3A_441 = arith.addf %add3A_437, %gather3A_440 : vector<16xf32>
        %broadcast_in_dim3A_442 = vector.shape_cast %xor3A_8 : vector<16xi32> to vector<16x1xi32>
        %gather3A_443 = vector.shape_cast %broadcast_in_dim3A_442 : vector<16x1xi32> to vector<16xi32>
        %gather3A_444 = tpu.dynamic_gather %add3A_441[%gather3A_443] in [0] : vector<16xf32>, vector<16xi32> -> vector<16xf32>
        %add3A_445 = arith.addf %add3A_441, %gather3A_444 : vector<16xf32>
        %broadcast_in_dim3A_446 = vector.shape_cast %xor3A_11 : vector<16xi32> to vector<16x1xi32>
        %gather3A_447 = vector.shape_cast %broadcast_in_dim3A_446 : vector<16x1xi32> to vector<16xi32>
        %gather3A_448 = tpu.dynamic_gather %add3A_445[%gather3A_447] in [0] : vector<16xf32>, vector<16xi32> -> vector<16xf32>
        %add3A_449 = arith.addf %add3A_445, %gather3A_448 : vector<16xf32>
        %eq3A = vector.broadcast %add3A_305 : i32 to vector<16xi32>
        %eq3A_450 = arith.cmpi eq, %iota3A, %eq3A : vector<16xi32>
        %select_n3A = arith.select %eq3A_450, %add3A_449, %scan3A_301 : vector<16xi1>, vector<16xf32>
        %mul3A_451 = arith.constant 2 : i32
        %mul3A_452 = arith.muli %scan3A_300, %mul3A_451 : i32
        %add3A_453 = arith.constant 1 : i32
        %add3A_454 = arith.addi %mul3A_452, %add3A_453 : i32
        %mul3A_455 = arith.constant 16 : i32
        %mul3A_456 = arith.muli %scan3A_273, %mul3A_455 : i32
        %add3A_457 = arith.addi %mul3A_456, %add3A_454 : i32
        %get3A_458 = arith.index_cast %add3A_457 : i32 to index
        %get3A_459 = arith.constant 0 : index
        %get3A_460 = tpu.vector_load %arg11[%get3A_458, %get3A_459] {strides = array<i32>} : memref<16x256xf32, #tpu.memory_space<vmem>>, vector<16xf32>,
        %get3A_461 = arith.index_cast %add3A_457 : i32 to index
        %get3A_462 = arith.constant 0 : index
        %get3A_463 = tpu.vector_load %arg12[%get3A_461, %get3A_462] {strides = array<i32>} : memref<16x256xf32, #tpu.memory_space<vmem>>, vector<16xf32>,
        %mul3A_464 = arith.mulf %get3A_460, %get3A_463 : vector<16xf32>
        %get3A_465 = arith.index_cast %add3A_457 : i32 to index
        %get3A_466 = arith.constant 16 : index
        %get3A_467 = tpu.vector_load %arg11[%get3A_465, %get3A_466] {strides = array<i32>} : memref<16x256xf32, #tpu.memory_space<vmem>>, vector<16xf32>,
        %get3A_468 = arith.index_cast %add3A_457 : i32 to index
        %get3A_469 = arith.constant 16 : index
        %get3A_470 = tpu.vector_load %arg12[%get3A_468, %get3A_469] {strides = array<i32>} : memref<16x256xf32, #tpu.memory_space<vmem>>, vector<16xf32>,
        %mul3A_471 = arith.mulf %get3A_467, %get3A_470 : vector<16xf32>
        %get3A_472 = arith.index_cast %add3A_457 : i32 to index
        %get3A_473 = arith.constant 32 : index
        %get3A_474 = tpu.vector_load %arg11[%get3A_472, %get3A_473] {strides = array<i32>} : memref<16x256xf32, #tpu.memory_space<vmem>>, vector<16xf32>,
        %get3A_475 = arith.index_cast %add3A_457 : i32 to index
        %get3A_476 = arith.constant 32 : index
        %get3A_477 = tpu.vector_load %arg12[%get3A_475, %get3A_476] {strides = array<i32>} : memref<16x256xf32, #tpu.memory_space<vmem>>, vector<16xf32>,
        %mul3A_478 = arith.mulf %get3A_474, %get3A_477 : vector<16xf32>
        %get3A_479 = arith.index_cast %add3A_457 : i32 to index
        %get3A_480 = arith.constant 48 : index
        %get3A_481 = tpu.vector_load %arg11[%get3A_479, %get3A_480] {strides = array<i32>} : memref<16x256xf32, #tpu.memory_space<vmem>>, vector<16xf32>,
        %get3A_482 = arith.index_cast %add3A_457 : i32 to index
        %get3A_483 = arith.constant 48 : index
        %get3A_484 = tpu.vector_load %arg12[%get3A_482, %get3A_483] {strides = array<i32>} : memref<16x256xf32, #tpu.memory_space<vmem>>, vector<16xf32>,
        %mul3A_485 = arith.mulf %get3A_481, %get3A_484 : vector<16xf32>
        %get3A_486 = arith.index_cast %add3A_457 : i32 to index
        %get3A_487 = arith.constant 64 : index
        %get3A_488 = tpu.vector_load %arg11[%get3A_486, %get3A_487] {strides = array<i32>} : memref<16x256xf32, #tpu.memory_space<vmem>>, vector<16xf32>,
        %get3A_489 = arith.index_cast %add3A_457 : i32 to index
        %get3A_490 = arith.constant 64 : index
        %get3A_491 = tpu.vector_load %arg12[%get3A_489, %get3A_490] {strides = array<i32>} : memref<16x256xf32, #tpu.memory_space<vmem>>, vector<16xf32>,
        %mul3A_492 = arith.mulf %get3A_488, %get3A_491 : vector<16xf32>
        %add3A_493 = arith.addf %mul3A_464, %mul3A_492 : vector<16xf32>
        %get3A_494 = arith.index_cast %add3A_457 : i32 to index
        %get3A_495 = arith.constant 80 : index
        %get3A_496 = tpu.vector_load %arg11[%get3A_494, %get3A_495] {strides = array<i32>} : memref<16x256xf32, #tpu.memory_space<vmem>>, vector<16xf32>,
        %get3A_497 = arith.index_cast %add3A_457 : i32 to index
        %get3A_498 = arith.constant 80 : index
        %get3A_499 = tpu.vector_load %arg12[%get3A_497, %get3A_498] {strides = array<i32>} : memref<16x256xf32, #tpu.memory_space<vmem>>, vector<16xf32>,
        %mul3A_500 = arith.mulf %get3A_496, %get3A_499 : vector<16xf32>
        %add3A_501 = arith.addf %mul3A_471, %mul3A_500 : vector<16xf32>
        %get3A_502 = arith.index_cast %add3A_457 : i32 to index
        %get3A_503 = arith.constant 96 : index
        %get3A_504 = tpu.vector_load %arg11[%get3A_502, %get3A_503] {strides = array<i32>} : memref<16x256xf32, #tpu.memory_space<vmem>>, vector<16xf32>,
        %get3A_505 = arith.index_cast %add3A_457 : i32 to index
        %get3A_506 = arith.constant 96 : index
        %get3A_507 = tpu.vector_load %arg12[%get3A_505, %get3A_506] {strides = array<i32>} : memref<16x256xf32, #tpu.memory_space<vmem>>, vector<16xf32>,
        %mul3A_508 = arith.mulf %get3A_504, %get3A_507 : vector<16xf32>
        %add3A_509 = arith.addf %mul3A_478, %mul3A_508 : vector<16xf32>
        %get3A_510 = arith.index_cast %add3A_457 : i32 to index
        %get3A_511 = arith.constant 112 : index
        %get3A_512 = tpu.vector_load %arg11[%get3A_510, %get3A_511] {strides = array<i32>} : memref<16x256xf32, #tpu.memory_space<vmem>>, vector<16xf32>,
        %get3A_513 = arith.index_cast %add3A_457 : i32 to index
        %get3A_514 = arith.constant 112 : index
        %get3A_515 = tpu.vector_load %arg12[%get3A_513, %get3A_514] {strides = array<i32>} : memref<16x256xf32, #tpu.memory_space<vmem>>, vector<16xf32>,
        %mul3A_516 = arith.mulf %get3A_512, %get3A_515 : vector<16xf32>
        %add3A_517 = arith.addf %mul3A_485, %mul3A_516 : vector<16xf32>
        %get3A_518 = arith.index_cast %add3A_457 : i32 to index
        %get3A_519 = arith.constant 128 : index
        %get3A_520 = tpu.vector_load %arg11[%get3A_518, %get3A_519] {strides = array<i32>} : memref<16x256xf32, #tpu.memory_space<vmem>>, vector<16xf32>,
        %get3A_521 = arith.index_cast %add3A_457 : i32 to index
        %get3A_522 = arith.constant 128 : index
        %get3A_523 = tpu.vector_load %arg12[%get3A_521, %get3A_522] {strides = array<i32>} : memref<16x256xf32, #tpu.memory_space<vmem>>, vector<16xf32>,
        %mul3A_524 = arith.mulf %get3A_520, %get3A_523 : vector<16xf32>
        %add3A_525 = arith.addf %add3A_493, %mul3A_524 : vector<16xf32>
        %get3A_526 = arith.index_cast %add3A_457 : i32 to index
        %get3A_527 = arith.constant 144 : index
        %get3A_528 = tpu.vector_load %arg11[%get3A_526, %get3A_527] {strides = array<i32>} : memref<16x256xf32, #tpu.memory_space<vmem>>, vector<16xf32>,
        %get3A_529 = arith.index_cast %add3A_457 : i32 to index
        %get3A_530 = arith.constant 144 : index
        %get3A_531 = tpu.vector_load %arg12[%get3A_529, %get3A_530] {strides = array<i32>} : memref<16x256xf32, #tpu.memory_space<vmem>>, vector<16xf32>,
        %mul3A_532 = arith.mulf %get3A_528, %get3A_531 : vector<16xf32>
        %add3A_533 = arith.addf %add3A_501, %mul3A_532 : vector<16xf32>
        %get3A_534 = arith.index_cast %add3A_457 : i32 to index
        %get3A_535 = arith.constant 160 : index
        %get3A_536 = tpu.vector_load %arg11[%get3A_534, %get3A_535] {strides = array<i32>} : memref<16x256xf32, #tpu.memory_space<vmem>>, vector<16xf32>,
        %get3A_537 = arith.index_cast %add3A_457 : i32 to index
        %get3A_538 = arith.constant 160 : index
        %get3A_539 = tpu.vector_load %arg12[%get3A_537, %get3A_538] {strides = array<i32>} : memref<16x256xf32, #tpu.memory_space<vmem>>, vector<16xf32>,
        %mul3A_540 = arith.mulf %get3A_536, %get3A_539 : vector<16xf32>
        %add3A_541 = arith.addf %add3A_509, %mul3A_540 : vector<16xf32>
        %get3A_542 = arith.index_cast %add3A_457 : i32 to index
        %get3A_543 = arith.constant 176 : index
        %get3A_544 = tpu.vector_load %arg11[%get3A_542, %get3A_543] {strides = array<i32>} : memref<16x256xf32, #tpu.memory_space<vmem>>, vector<16xf32>,
        %get3A_545 = arith.index_cast %add3A_457 : i32 to index
        %get3A_546 = arith.constant 176 : index
        %get3A_547 = tpu.vector_load %arg12[%get3A_545, %get3A_546] {strides = array<i32>} : memref<16x256xf32, #tpu.memory_space<vmem>>, vector<16xf32>,
        %mul3A_548 = arith.mulf %get3A_544, %get3A_547 : vector<16xf32>
        %add3A_549 = arith.addf %add3A_517, %mul3A_548 : vector<16xf32>
        %get3A_550 = arith.index_cast %add3A_457 : i32 to index
        %get3A_551 = arith.constant 192 : index
        %get3A_552 = tpu.vector_load %arg11[%get3A_550, %get3A_551] {strides = array<i32>} : memref<16x256xf32, #tpu.memory_space<vmem>>, vector<16xf32>,
        %get3A_553 = arith.index_cast %add3A_457 : i32 to index
        %get3A_554 = arith.constant 192 : index
        %get3A_555 = tpu.vector_load %arg12[%get3A_553, %get3A_554] {strides = array<i32>} : memref<16x256xf32, #tpu.memory_space<vmem>>, vector<16xf32>,
        %mul3A_556 = arith.mulf %get3A_552, %get3A_555 : vector<16xf32>
        %add3A_557 = arith.addf %add3A_525, %mul3A_556 : vector<16xf32>
        %get3A_558 = arith.index_cast %add3A_457 : i32 to index
        %get3A_559 = arith.constant 208 : index
        %get3A_560 = tpu.vector_load %arg11[%get3A_558, %get3A_559] {strides = array<i32>} : memref<16x256xf32, #tpu.memory_space<vmem>>, vector<16xf32>,
        %get3A_561 = arith.index_cast %add3A_457 : i32 to index
        %get3A_562 = arith.constant 208 : index
        %get3A_563 = tpu.vector_load %arg12[%get3A_561, %get3A_562] {strides = array<i32>} : memref<16x256xf32, #tpu.memory_space<vmem>>, vector<16xf32>,
        %mul3A_564 = arith.mulf %get3A_560, %get3A_563 : vector<16xf32>
        %add3A_565 = arith.addf %add3A_533, %mul3A_564 : vector<16xf32>
        %get3A_566 = arith.index_cast %add3A_457 : i32 to index
        %get3A_567 = arith.constant 224 : index
        %get3A_568 = tpu.vector_load %arg11[%get3A_566, %get3A_567] {strides = array<i32>} : memref<16x256xf32, #tpu.memory_space<vmem>>, vector<16xf32>,
        %get3A_569 = arith.index_cast %add3A_457 : i32 to index
        %get3A_570 = arith.constant 224 : index
        %get3A_571 = tpu.vector_load %arg12[%get3A_569, %get3A_570] {strides = array<i32>} : memref<16x256xf32, #tpu.memory_space<vmem>>, vector<16xf32>,
        %mul3A_572 = arith.mulf %get3A_568, %get3A_571 : vector<16xf32>
        %add3A_573 = arith.addf %add3A_541, %mul3A_572 : vector<16xf32>
        %get3A_574 = arith.index_cast %add3A_457 : i32 to index
        %get3A_575 = arith.constant 240 : index
        %get3A_576 = tpu.vector_load %arg11[%get3A_574, %get3A_575] {strides = array<i32>} : memref<16x256xf32, #tpu.memory_space<vmem>>, vector<16xf32>,
        %get3A_577 = arith.index_cast %add3A_457 : i32 to index
        %get3A_578 = arith.constant 240 : index
        %get3A_579 = tpu.vector_load %arg12[%get3A_577, %get3A_578] {strides = array<i32>} : memref<16x256xf32, #tpu.memory_space<vmem>>, vector<16xf32>,
        %mul3A_580 = arith.mulf %get3A_576, %get3A_579 : vector<16xf32>
        %add3A_581 = arith.addf %add3A_549, %mul3A_580 : vector<16xf32>
        %add3A_582 = arith.addf %add3A_557, %add3A_565 : vector<16xf32>
        %add3A_583 = arith.addf %add3A_573, %add3A_581 : vector<16xf32>
        %add3A_584 = arith.addf %add3A_582, %add3A_583 : vector<16xf32>
        %broadcast_in_dim3A_585 = vector.shape_cast %xor3A_2 : vector<16xi32> to vector<16x1xi32>
        %gather3A_586 = vector.shape_cast %broadcast_in_dim3A_585 : vector<16x1xi32> to vector<16xi32>
        %gather3A_587 = tpu.dynamic_gather %add3A_584[%gather3A_586] in [0] : vector<16xf32>, vector<16xi32> -> vector<16xf32>
        %add3A_588 = arith.addf %add3A_584, %gather3A_587 : vector<16xf32>
        %broadcast_in_dim3A_589 = vector.shape_cast %xor3A_5 : vector<16xi32> to vector<16x1xi32>
        %gather3A_590 = vector.shape_cast %broadcast_in_dim3A_589 : vector<16x1xi32> to vector<16xi32>
        %gather3A_591 = tpu.dynamic_gather %add3A_588[%gather3A_590] in [0] : vector<16xf32>, vector<16xi32> -> vector<16xf32>
        %add3A_592 = arith.addf %add3A_588, %gather3A_591 : vector<16xf32>
        %broadcast_in_dim3A_593 = vector.shape_cast %xor3A_8 : vector<16xi32> to vector<16x1xi32>
        %gather3A_594 = vector.shape_cast %broadcast_in_dim3A_593 : vector<16x1xi32> to vector<16xi32>
        %gather3A_595 = tpu.dynamic_gather %add3A_592[%gather3A_594] in [0] : vector<16xf32>, vector<16xi32> -> vector<16xf32>
        %add3A_596 = arith.addf %add3A_592, %gather3A_595 : vector<16xf32>
        %broadcast_in_dim3A_597 = vector.shape_cast %xor3A_11 : vector<16xi32> to vector<16x1xi32>
        %gather3A_598 = vector.shape_cast %broadcast_in_dim3A_597 : vector<16x1xi32> to vector<16xi32>
        %gather3A_599 = tpu.dynamic_gather %add3A_596[%gather3A_598] in [0] : vector<16xf32>, vector<16xi32> -> vector<16xf32>
        %add3A_600 = arith.addf %add3A_596, %gather3A_599 : vector<16xf32>
        %eq3A_601 = vector.broadcast %add3A_454 : i32 to vector<16xi32>
        %eq3A_602 = arith.cmpi eq, %iota3A, %eq3A_601 : vector<16xi32>
        %select_n3A_603 = arith.select %eq3A_602, %add3A_600, %select_n3A : vector<16xi1>, vector<16xf32>
        scf.yield %select_n3A_603 : vector<16xf32>
      }
      %scan3A_281 = arith.constant 8 : i32
      %neg3A_282 = arith.constant 0.000000e+00 : f32
      %neg3A_283 = vector.broadcast %neg3A_282 : f32 to vector<16xf32>
      %neg3A_284 = arith.subf %neg3A_283, %scan3A_280 : vector<16xf32>
      %exp3A_285 = math.exp %neg3A_284 : vector<16xf32>
      %add3A_286 = arith.constant 1.000000e+00 : f32
      %add3A_287 = vector.broadcast %add3A_286 : f32 to vector<16xf32>
      %add3A_288 = arith.addf %add3A_287, %exp3A_285 : vector<16xf32>
      %div3A_289 = arith.constant 1.000000e+00 : f32
      %div3A_290 = vector.broadcast %div3A_289 : f32 to vector<16xf32>
      %div3A_291 = arith.divf %div3A_290, %add3A_288 : vector<16xf32>
      %mul3A_292 = arith.constant 16 : i32
      %mul3A_293 = arith.muli %add3A_101, %mul3A_292 : i32
      %mul3A_294 = arith.constant 16 : i32
      %mul3A_295 = arith.muli %scan3A_273, %mul3A_294 : i32
      %add3A_296 = arith.addi %mul3A_293, %mul3A_295 : i32
      %swap3A_297 = arith.index_cast %add3A_296 : i32 to index
      %swap3A_298 = tpu.vector_load %arg13[%swap3A_297] {strides = array<i32>} : memref<5024xf32, #tpu.memory_space<vmem>>, vector<16xf32>,
      tpu.vector_store %arg13[%swap3A_297], %div3A_291 {strides = array<i32>} : memref<5024xf32, #tpu.memory_space<vmem>>, vector<16xf32>,
      %scan3A_299 = arith.constant 1 : i32
    }
    %scan3A_55 = arith.constant 157 : i32
    %dma_wait3A = arith.constant 313 : i32
    %dma_wait3A_56 = arith.constant 0 : i32
    %dma_wait3A_57 = arith.constant 0 : i32
    %dma_wait3A_58 = tpu.memref_slice %arg9[%dma_wait3A_56, %dma_wait3A_57] : memref<16x256xf32, #tpu.memory_space<vmem>> -> memref<8x256xf32, #tpu.memory_space<vmem>>
    %dma_wait3A_59 = arith.constant 0 : i32
    %dma_wait3A_60 = tpu.memref_slice %arg7[%dma_wait3A, %dma_wait3A_59] : memref<314x16xi32, #tpu.memory_space<vmem>> -> memref<1x8xi32, #tpu.memory_space<vmem>>
    %dma_wait3A_61 = tpu.memref_squeeze %dma_wait3A_60 : memref<1x8xi32, #tpu.memory_space<vmem>> -> memref<8xi32, #tpu.memory_space<vmem>>
    %dma_wait3A_62 = arith.constant 0 : i32
    %dma_wait3A_63 = arith.constant 0 : i32
    %dma_wait3A_64 = tpu.memref_slice %arg2[%dma_wait3A_62, %dma_wait3A_63] : memref<10000x256xf32, #tpu.memory_space<hbm>> -> memref<10000x256xf32, #tpu.memory_space<hbm>>
    tpu.wait_indirect_dma semaphore(%arg14 : memref<!tpu.dma_semaphore, #tpu.memory_space<semaphore_mem>>) src(%dma_wait3A_64 : memref<10000x256xf32, #tpu.memory_space<hbm>>) dst(%dma_wait3A_58 : memref<8x256xf32, #tpu.memory_space<vmem>>)
    %dma_wait3A_65 = arith.constant 313 : i32
    %dma_wait3A_66 = arith.constant 8 : i32
    %dma_wait3A_67 = arith.constant 0 : i32
    %dma_wait3A_68 = tpu.memref_slice %arg9[%dma_wait3A_66, %dma_wait3A_67] : memref<16x256xf32, #tpu.memory_space<vmem>> -> memref<8x256xf32, #tpu.memory_space<vmem>>
    %dma_wait3A_69 = arith.constant 8 : i32
    %dma_wait3A_70 = tpu.memref_slice %arg7[%dma_wait3A_65, %dma_wait3A_69] : memref<314x16xi32, #tpu.memory_space<vmem>> -> memref<1x8xi32, #tpu.memory_space<vmem>>
    %dma_wait3A_71 = tpu.memref_squeeze %dma_wait3A_70 : memref<1x8xi32, #tpu.memory_space<vmem>> -> memref<8xi32, #tpu.memory_space<vmem>>
    %dma_wait3A_72 = arith.constant 0 : i32
    %dma_wait3A_73 = arith.constant 0 : i32
    %dma_wait3A_74 = tpu.memref_slice %arg2[%dma_wait3A_72, %dma_wait3A_73] : memref<10000x256xf32, #tpu.memory_space<hbm>> -> memref<10000x256xf32, #tpu.memory_space<hbm>>
    tpu.wait_indirect_dma semaphore(%arg14 : memref<!tpu.dma_semaphore, #tpu.memory_space<semaphore_mem>>) src(%dma_wait3A_74 : memref<10000x256xf32, #tpu.memory_space<hbm>>) dst(%dma_wait3A_68 : memref<8x256xf32, #tpu.memory_space<vmem>>)
    %dma_wait3A_75 = arith.constant 313 : i32
    %dma_wait3A_76 = arith.constant 0 : i32
    %dma_wait3A_77 = arith.constant 0 : i32
    %dma_wait3A_78 = tpu.memref_slice %arg10[%dma_wait3A_76, %dma_wait3A_77] : memref<16x256xf32, #tpu.memory_space<vmem>> -> memref<8x256xf32, #tpu.memory_space<vmem>>
    %dma_wait3A_79 = arith.constant 0 : i32
    %dma_wait3A_80 = tpu.memref_slice %arg8[%dma_wait3A_75, %dma_wait3A_79] : memref<314x16xi32, #tpu.memory_space<vmem>> -> memref<1x8xi32, #tpu.memory_space<vmem>>
    %dma_wait3A_81 = tpu.memref_squeeze %dma_wait3A_80 : memref<1x8xi32, #tpu.memory_space<vmem>> -> memref<8xi32, #tpu.memory_space<vmem>>
    %dma_wait3A_82 = arith.constant 0 : i32
    %dma_wait3A_83 = arith.constant 0 : i32
    %dma_wait3A_84 = tpu.memref_slice %arg3[%dma_wait3A_82, %dma_wait3A_83] : memref<10000x256xf32, #tpu.memory_space<hbm>> -> memref<10000x256xf32, #tpu.memory_space<hbm>>
    tpu.wait_indirect_dma semaphore(%arg14 : memref<!tpu.dma_semaphore, #tpu.memory_space<semaphore_mem>>) src(%dma_wait3A_84 : memref<10000x256xf32, #tpu.memory_space<hbm>>) dst(%dma_wait3A_78 : memref<8x256xf32, #tpu.memory_space<vmem>>)
    %dma_wait3A_85 = arith.constant 313 : i32
    %dma_wait3A_86 = arith.constant 8 : i32
    %dma_wait3A_87 = arith.constant 0 : i32
    %dma_wait3A_88 = tpu.memref_slice %arg10[%dma_wait3A_86, %dma_wait3A_87] : memref<16x256xf32, #tpu.memory_space<vmem>> -> memref<8x256xf32, #tpu.memory_space<vmem>>
    %dma_wait3A_89 = arith.constant 8 : i32
    %dma_wait3A_90 = tpu.memref_slice %arg8[%dma_wait3A_85, %dma_wait3A_89] : memref<314x16xi32, #tpu.memory_space<vmem>> -> memref<1x8xi32, #tpu.memory_space<vmem>>
    %dma_wait3A_91 = tpu.memref_squeeze %dma_wait3A_90 : memref<1x8xi32, #tpu.memory_space<vmem>> -> memref<8xi32, #tpu.memory_space<vmem>>
    %dma_wait3A_92 = arith.constant 0 : i32
    %dma_wait3A_93 = arith.constant 0 : i32
    %dma_wait3A_94 = tpu.memref_slice %arg3[%dma_wait3A_92, %dma_wait3A_93] : memref<10000x256xf32, #tpu.memory_space<hbm>> -> memref<10000x256xf32, #tpu.memory_space<hbm>>
    tpu.wait_indirect_dma semaphore(%arg14 : memref<!tpu.dma_semaphore, #tpu.memory_space<semaphore_mem>>) src(%dma_wait3A_94 : memref<10000x256xf32, #tpu.memory_space<hbm>>) dst(%dma_wait3A_88 : memref<8x256xf32, #tpu.memory_space<vmem>>)
    %mul3A_95 = arith.constant 5024 : i32
    %mul3A_96 = arith.muli %add3A, %mul3A_95 : i32
    "tpu.region"() ({
      %run_scoped3A = tpu.sem_alloc : memref<!tpu.dma_semaphore, #tpu.memory_space<semaphore_mem>>
      %dma_start3A_97 = tpu.memref_slice %arg6[%mul3A_96] : memref<160768xf32, #tpu.memory_space<hbm>> -> memref<5024xf32, #tpu.memory_space<hbm>>
      %dma_start3A_98 = tpu.memref_slice %arg6[%mul3A_96] : memref<160768xf32, #tpu.memory_space<hbm>> -> memref<5024xf32, #tpu.memory_space<hbm>>
      tpu.enqueue_dma source(%arg13 : memref<5024xf32, #tpu.memory_space<vmem>>) target(%dma_start3A_98 : memref<5024xf32, #tpu.memory_space<hbm>>) target_semaphore(%run_scoped3A : memref<!tpu.dma_semaphore, #tpu.memory_space<semaphore_mem>>)
      %dma_wait3A_99 = tpu.memref_slice %arg6[%mul3A_96] : memref<160768xf32, #tpu.memory_space<hbm>> -> memref<5024xf32, #tpu.memory_space<hbm>>
      %dma_wait3A_100 = tpu.memref_slice %arg6[%mul3A_96] : memref<160768xf32, #tpu.memory_space<hbm>> -> memref<5024xf32, #tpu.memory_space<hbm>>
      tpu.wait_dma2 semaphore(%run_scoped3A : memref<!tpu.dma_semaphore, #tpu.memory_space<semaphore_mem>>) src(%arg13 : memref<5024xf32, #tpu.memory_space<vmem>>) dst(%dma_wait3A_100 : memref<5024xf32, #tpu.memory_space<hbm>>)
      tpu.yield
    }) : () -> ()
    return
  }
}

</mosaic_0001>

<sc_bundles>
// kernel: kernel.3.cloned.1.call-start
scs
__scs_entry_jumppad:
0x0: {  	(pc) =	sbr.rel $0x88, $3  }
0x1: {  	(tag) =	ssettag $0x0;
	lr =	simm.s32 $0x1  }
0x2: {  	[smem:$0x3F9E] =	sst lr;
	_ =	strace $0xD0000000  }
0x3: {  	_ = 	snop  }
0x4: {  	_ = 	snop  }
0x5: {  	_ = 	snop  }
0x6: {  	_ = 	snop  }
0x7: {  	_ = 	snop  }
__scs_overlays_trampoline_lowered:
0x8: {  	[smem:$0x3FAD] =	sst s0  }
0x9: {  	[smem:$0x3FAE] =	sst s1  }
0xa: {  	[smem:$0x3FAF] =	sst s2  }
0xb: {  	[smem:$0x3FB0] =	sst s3  }
0xc: {  	[smem:$0x3FB1] =	sst s4  }
0xd: {  	[smem:$0x3FB2] =	sst s5  }
0xe: {  	[smem:$0x3FB3] =	sst s6  }
0xf: {  	[smem:$0x3FB4] =	sst s7  }
0x10: {  	[smem:$0x3FB5] =	sst s8  }
0x11: {  	[smem:$0x3FB6] =	sst s9;
	s0 =	simm.s32 @!p0 $0x0  }
0x12: {  	s1 =	sld [smem:$0x3F9C];
	s0 =	simm.s32 @p0 $0x1  }
0x13: {  	[smem:$0x3FB7] =	sst s0;
	s0 =	simm.s32 @!p1 $0x0  }
0x14: {  	s2 =	sld [smem:$0x3F9B];
	s0 =	simm.s32 @p1 $0x1  }
0x15: {  	[smem:$0x3FB8] =	sst s0;
	s0 =	simm.s32 @!p2 $0x0  }
0x16: {  	s3 =	sld [smem:$0x3FDB];
	s0 =	simm.s32 @p2 $0x1  }
0x17: {  	s4 =	simm.s32 $0x1BF5;
	[smem:$0x3FBA] =	sst s0  }
0x18: {  	s0 =	sld [smem:$0x3F9D];
	_ =	swait.ge [sflag:s4], $0x0  }
0x19: {  	s7 =	sld [smem:$0x3F9E]  }
0x1a: {  	s8 =	sadd.s32 $0xFFFFE003, lr  }
0x1b: {  	s9 =	sadd.s32 $0xFFFFFEF7, lr;
	s5 =	simm.s32 $0xFFFFFFFF;
	p2 =	slt.u32 s8, $0xFFFFF086  }
0x1c: {  	p1 =	slt.u32 s9, $0xF7A;
	s5 =	simm.s32 @!p2 $0x0  }
0x1d: {  	s5 =	simm.s32 @p1 $0x1;
	p0 =	seq.s32 s7, s2  }
0x1e: {  	s7 =	smul.u32 @!p0 $0xF7A, s2;
	p2 =	seq.s32 @!p0 s5, $0x0  }
0x1f: {  	s9 =	smul.u32 $0xF7A, s1;
	s8 =	simm.s32 @!p0 $0x1BF5;
	p2 =	por !p2, p0  }
0x20: {  	[sflag:s8] =	ssyncset.s32 @!p0 $0xFFFFF086;
	s6 =	sadd.s32 @!p0 s3, s7;
	s7 =	simm.s32 @!p0 $0x108  }
0x21: {  	s3 =	sadd.s32 s3, s9;
	s6 =	sadd.s32 @!p0 $0x88, s6;
	s7 =	simm.s32 @p2 $0x1082  }
0x22: {  	[simem:s7], [sflag:s8] =	dma.local @!p0 [hbm:s6], $0xF7A  }
0x23: {  	s9 =	sor.u32 $0xD0000000, s2;
	s6 =	simm.s32 $0x108;
	_ =	swait.ge @!p0 [sflag:s8], $0x0  }
0x24: {  	s3 =	sadd.s32 $0x88, s3;
	s6 =	simm.s32 @!p1 $0x1082;
	[sflag:s4] =	ssyncset.s32 $0xFFFFF086  }
0x25: {  	[simem:s6], [sflag:s4] =	dma.local [hbm:s3], $0xF7A  }
0x26: {  	[smem:$0x3F9E] =	sst s1;
	(tag) =	ssettag s2;
	_ =	strace s9  }
0x27: {  	s1 =	sld [smem:$0x3FAE]  }
0x28: {  	s2 =	sld [smem:$0x3FAF]  }
0x29: {  	s4 =	sld [smem:$0x3FB1]  }
0x2a: {  	p0 =	seq.s32 s5, $0x0;
	s5 =	sld [smem:$0x3FB2]  }
0x2b: {  	s6 =	sld [smem:$0x3FB3]  }
0x2c: {  	s7 =	sld [smem:$0x3FB4]  }
0x2d: {  	s3 =	simm.s32 $0x108;
	s8 =	sld [smem:$0x3FB5]  }
0x2e: {  	s3 =	simm.s32 @!p0 $0x1082;
	s9 =	sld [smem:$0x3FB6]  }
0x2f: {  	lr =	sadd.s32 s0, s3;
	s0 =	sld [smem:$0x3FAD]  }
0x30: {  	s3 =	sld [smem:$0x3FB0]  }
0x31: {  	[smem:$0x3FB9] =	sst s10  }
0x32: {  	s10 =	sld [smem:$0x3FB7];
	_ =	sdelay $0x3  }
0x33: {  	p0 =	seq.s32 s10, $0x1;
	s10 =	sld [smem:$0x3FB9];
	_ =	sdelay $0x3  }
0x34: {  	[smem:$0x3FB9] =	sst s10  }
0x35: {  	s10 =	sld [smem:$0x3FB8];
	_ =	sdelay $0x3  }
0x36: {  	p1 =	seq.s32 s10, $0x1;
	s10 =	sld [smem:$0x3FB9];
	_ =	sdelay $0x3  }
0x37: {  	[smem:$0x3FB9] =	sst s10  }
0x38: {  	s10 =	sld [smem:$0x3FBA]  }
0x39: {  	_ = 	snop;
	(pc) =	sbr.ind lr, $3  }
0x3a: {  	_ = 	snop  }
0x3b: {  	_ = 	snop  }
0x3c: {  	p2 =	seq.s32 s10, $0x1;
	s10 =	sld [smem:$0x3FB9]  }
0x3d: {  	_ =	shalt  }
0x3e: {  	_ =	shalt  }
0x3f: {  	_ =	shalt  }
0x40: {  	_ =	shalt  }
0x41: {  	_ =	shalt  }
0x42: {  	_ =	shalt  }
0x43: {  	_ =	shalt  }
0x44: {  	_ =	shalt  }
0x45: {  	_ =	shalt  }
0x46: {  	_ =	shalt  }
0x47: {  	_ =	shalt  }
0x48: {  	_ =	shalt  }
0x49: {  	_ =	shalt  }
0x4a: {  	_ =	shalt  }
0x4b: {  	_ =	shalt  }
0x4c: {  	_ =	shalt  }
0x4d: {  	_ =	shalt  }
0x4e: {  	_ =	shalt  }
0x4f: {  	_ =	shalt  }
0x50: {  	_ =	shalt  }
0x51: {  	_ =	shalt  }
0x52: {  	_ =	shalt  }
0x53: {  	_ =	shalt  }
0x54: {  	_ =	shalt  }
0x55: {  	_ =	shalt  }
0x56: {  	_ =	shalt  }
0x57: {  	_ =	shalt  }
0x58: {  	_ =	shalt  }
0x59: {  	_ =	shalt  }
0x5a: {  	_ =	shalt  }
0x5b: {  	_ =	shalt  }
0x5c: {  	_ =	shalt  }
0x5d: {  	_ =	shalt  }
0x5e: {  	_ =	shalt  }
0x5f: {  	_ =	shalt  }
0x60: {  	_ =	shalt  }
0x61: {  	_ =	shalt  }
0x62: {  	_ =	shalt  }
0x63: {  	_ =	shalt  }
0x64: {  	_ =	shalt  }
0x65: {  	_ =	shalt  }
0x66: {  	_ =	shalt  }
0x67: {  	_ =	shalt  }
0x68: {  	_ =	shalt  }
0x69: {  	_ =	shalt  }
0x6a: {  	_ =	shalt  }
0x6b: {  	_ =	shalt  }
0x6c: {  	_ =	shalt  }
0x6d: {  	_ =	shalt  }
0x6e: {  	_ =	shalt  }
0x6f: {  	_ =	shalt  }
0x70: {  	_ =	shalt  }
0x71: {  	_ =	shalt  }
0x72: {  	_ =	shalt  }
0x73: {  	_ =	shalt  }
0x74: {  	_ =	shalt  }
0x75: {  	_ =	shalt  }
0x76: {  	_ =	shalt  }
0x77: {  	_ =	shalt  }
0x78: {  	_ =	shalt  }
0x79: {  	_ =	shalt  }
0x7a: {  	_ =	shalt  }
0x7b: {  	_ =	shalt  }
0x7c: {  	_ =	shalt  }
0x7d: {  	_ =	shalt  }
0x7e: {  	_ =	shalt  }
0x7f: {  	_ =	shalt  }
0x80: {  	_ =	shalt  }
0x81: {  	_ =	shalt  }
0x82: {  	_ =	shalt  }
0x83: {  	_ =	shalt  }
0x84: {  	_ =	shalt  }
0x85: {  	_ =	shalt  }
0x86: {  	_ =	shalt  }
0x87: {  	_ =	shalt  }
.Lfunc_end0:
.L_simem_size_0:
called_computation_lowered:
.L_overlay_start_0:
0x88: {  	s2 =	sld [smem:$0x3FD9]  }
0x89: {  	s3 =	sld [smem:$0x3FFE];
	_ =	sdelay $0x1  }
0x8a: {  	s1 =	srdreg.scid  }
0x8b: {  	s0 =	sand.u32 $0x1, s1  }
0x8c: {  	s17 =	sshll.u32 s0, $0xA;
	s2 =	sadd.s32 s3, s2  }
0x8d: {  	s2 =	sadd.s32 s2, s17  }
0x8e: {  	[smem:$0x3FC5] =	sst s2  }
0x8f: {  	_ = 	snop  }
0x90: {  	s2 =	sld [smem:$0x3FD0];
	(tm) =	ssettm $0x1  }
0x91: {  	s18 =	sld [smem:$0x3FFB];
	_ =	sdelay $0x3  }
0x92: {  	_ =	strace s18  }
0x93: {  	s3 =	sld [smem:$0x3FFC];
	_ =	sdelay $0x3  }
0x94: {  	_ =	strace s3  }
0x95: {  	s3 =	sld [smem:$0x3FFD];
	_ =	sdelay $0x3  }
0x96: {  	_ =	strace s3  }
0x97: {  	_ =	strace $0x8FFFFFFF  }
0x98: {  	s19 =	sld [smem:$0x3FDB];
	_ =	sdelay $0x1  }
0x99: {  	s4 =	simm.s32 $_scs_section_size  }
0x9a: {  	s5 =	simm.s32 $_size__tile_overlayer_lowered;
	s6 =	simm.s32 $_tile_overlayer_lowered  }
0x9b: {  	s22 =	simm.s32 $0x1BFF;
	s21 =	sshll.u32 s6, $0x1;
	s3 =	sadd.s32 s4, s19  }
0x9c: {  	s7 =	simm.s32 $0x0;
	s20 =	sshll.u32 s5, $0x1;
	s5 =	sadd.s32 s21, s3  }
0x9d: {  	[timem:s7], [sflag:s22] =	dma.local [hbm:s5], s20  }
0x9e: {  	_ =	swait.ge [sflag:s22], s20  }
0x9f: {  	s4 =	ssub.s32 $0x0, s20;
	[sflag:s22] =	ssyncset.done $0x0  }
0xa0: {  	[sflag:s22] =	ssyncadd.s32 s4;
	_ =	sdelay $0x1  }
0xa1: {  	s23 =	simm.s32 $0x1B8B  }
0xa2: {  	_ =	swait.ge [sflag:s23], $0x1  }
0xa3: {  	[sflag:s23] =	ssyncset.done $0x0  }
0xa4: {  	s25 =	simm.s32 $0x1B8E;
	s24 =	sld [smem:$0x3FFE];
	[sflag:s23] =	ssyncadd.s32 $0xFFFFFFFF  }
0xa5: {  	s26 =	simm.s32 $execute0_lowered;
	[smem:$0x3FD2] =	sst s25  }
0xa6: {  	s5 =	sshll.u32 s26, $0x1;
	_ =	strace $0x80000046;
	[dreg:$0x1] =	wrdreg $0xFFFFFFFF  }
0xa7: {  	s28 =	simm.s32 $_size_execute0_lowered;
	s3 =	sadd.s32 s3, s5;
	[dreg:$0x0] =	wrdreg $0x0  }
0xa8: {  	s5 =	sshll.u32 s28, $0x1;
	[dreg:$0x2] =	wrdreg s3  }
0xa9: {  	[dreg:$0x3] =	wrdreg s5  }
0xaa: {  	[dreg:$0x4] =	wrdreg $0xC0  }
0xab: {  	_ =	task [dreg:s7], $0x5FFFF  }
0xac: {  	[dreg:$0x1] =	wrdreg $0xFFFFFFFF  }
0xad: {  	[dreg:$0x0] =	wrdreg $0x60  }
0xae: {  	[dreg:$0x2] =	wrdreg s24  }
0xaf: {  	[dreg:$0x3] =	wrdreg s2  }
0xb0: {  	[dreg:$0x4] =	wrdreg $0x9  }
0xb1: {  	_ =	task.clear_ibuf [dreg:s7], $0x5FFFF;
	_ =	strace $0x90000046  }
0xb2: {  	s29 =	simm.s32 $0x9;
	_ =	strace $0x80000048  }
0xb3: {  	_ =	swait.ge [sflag:s29], $0x1  }
0xb4: {  	[sflag:s29] =	ssyncadd.s32 $0xFFFFFFFF  }
0xb5: {  	_ =	strace $0x90000048  }
0xb6: {  	_ =	sfence  }
0xb7: {  	s30 =	sld [smem:$0x0];
	_ =	sdelay $0x2  }
0xb8: {  	s31 =	sshll.u32 s1, $0xD;
	s1 =	sshrl.u32 s1, $0x2  }
0xb9: {  	s3 =	sand.u32 $0x4000, s31;
	s1 =	sadd.s32 s1, s30  }
0xba: {  	s0 =	sor.u32 s3, s0;
	s1 =	sshll.u32 s1, $0x11  }
0xbb: {  	s0 =	sor.u32 s1, s0  }
0xbc: {  	s0 =	sadd.s32 $0x8F2B, s0  }
0xbd: {  	[sflag:s0] =	ssyncadd.remote.s32 $0x1  }
0xbe: {  	_ =	sfence.sel $0xFFFF  }
0xbf: {  	[dreg:$0x0] =	wrdreg $0xFFFFFFFF;
	(pc) =	sbr.abs _section_cstart, $3  }
0xc0: {  	[dreg:$0x1] =	wrdreg $0xFFFFFFFF  }
0xc1: {  	_ =	task.clear_ibuf [dreg:s7], $0x2FFFF;
	_ =	strace $0x9FFFFFFF  }
0xc2: {  	(tm) =	ssettm $0x7FFFFFFF  }
0xc3: {  	_ =	shalt  }
tec
execute0_lowered:
.L_overlay_start_1:
0x0: {  	(tag) =	ssettag $0x1  }
0x1: {  	s0 =	rddreg [dreg:$0x0]  }
0x2: {  	s7 =	rddreg [dreg:$0x1];
	v0 =	vimm.s32 $0xFEDCBA98;
	v1 =	vimm.s32 $0x76543210  }
0x3: {  	s3 =	srdreg.scid;
	s1 =	stileid.u32;
	v2 =	vimm.s32 $0xBA98FEDC;
	v3 =	vimm.s32 $0x32107654;
	v4 =	vimm.s32 $0xDCFE98BA  }
0x4: {  	s2 =	simm.s32 $0x0;
	v5 =	vimm.s32 $0x54761032;
	v6 =	vimm.s32 $0xEFCDAB89;
	s10 =	simm.s32 $0x13A0;
	s11 =	simm.s32 $0x8  }
0x5: {  	v7 =	vimm.s32 $0x67452301;
	s12 =	simm.s32 $0x2740;
	s13 =	simm.s32 $0x2F40;
	s14 =	simm.s32 $0x3740  }
0x6: {  	s15 =	simm.s32 $0x13A8;
	s16 =	simm.s32 $0x3F40;
	s17 =	simm.s32 $0x4740;
	v0 =	vunpack.c.l.s4.s8 v0;
	v1 =	vunpack.c.l.s4.s8 v1;
	v2 =	vunpack.c.l.s4.s8 v2  }
0x7: {  	s18 =	simm.s32 $0x4F40;
	s19 =	simm.s32 $0x5740;
	s20 =	simm.s32 $0x5F40;
	v3 =	vunpack.c.l.s4.s8 v3;
	v4 =	vunpack.c.l.s4.s8 v4;
	v5 =	vunpack.c.l.s4.s8 v5  }
0x8: {  	s21 =	simm.s32 $0x1;
	s22 =	simm.s32 $0x2;
	s23 =	simm.s32 $0x6740;
	v6 =	vunpack.c.l.s4.s8 v6;
	v7 =	vunpack.c.l.s4.s8 v7;
	v0 =	vunpack.c.0.s8.s32 v0  }
0x9: {  	s24 =	simm.s32 $0x0;
	s5 =	sand.u32 $0x1, s3;
	s31 =	sshll.u32 s1, $0x1;
	v2 =	vunpack.c.0.s8.s32 v2;
	v3 =	vunpack.c.0.s8.s32 v3;
	v4 =	vunpack.c.0.s8.s32 v4  }
0xa: {  	[smem:$0x7FF] =	sst s2;
	s3 =	sor.u32 s5, s31;
	s5 =	ssub.s32 $0x2, s5;
	v5 =	vunpack.c.0.s8.s32 v5;
	v6 =	vunpack.c.0.s8.s32 v6;
	v7 =	vunpack.c.0.s8.s32 v7  }
0xb: {  	s4 =	sadd.s32 $0x58A00, s0;
	s8 =	smul.u32 $0x274, s3;
	s6 =	sshrl.u32 s5, $0x1;
	v1 =	vunpack.c.0.s8.s32 v1;
	v2 =	vcombine.low v3, v2  }
0xc: {  	_ =	strace $0x80000047;
	s3 =	sadd.s32 $0xA800, s0;
	s9 =	ssub.s32 s5, s6;
	v3 =	vcombine.low v5, v4;
	v4 =	vcombine.low v7, v6;
	v0 =	vand.u32 $0xF, v0  }
0xd: {  	s0 =	sadd.s32 s8, s0;
	s7 =	sadd.s32 s7, s8;
	s8 =	smax.u32 s9, $0x1;
	v0 =	vcombine.low v0, v1;
	v1 =	vand.u32 $0xF, v2  }
0xe: {  	s9 =	simm.s32 $0x3;
	s5 =	sadd.s32 $0x5800, s0;
	s6 =	sadd.s32 $0x800, s0;
	v2 =	vand.u32 $0xF, v3;
	v3 =	vand.u32 $0xF, v4;
	v4 =	vlaneseq.u32  }
.LBB2_1:
0xf: {  	[tilespmem:s2], [sflag:$0x3] =	stream.linear.gather [hbm4b:s5+s2], $0x13A0, $0x38;
	[tilespmem:$0x7AE0] =	vst v63  }
0x10: {  	_ =	swait.ge [sflag:s9], $0x13A0  }
0x11: {  	[sflag:s9] =	ssyncset.done $0x0  }
0x12: {  	[sflag:s9] =	ssyncadd.s32 $0xFFFFEC60  }
0x13: {  	[tilespmem:s10], [sflag:$0x3] =	stream.linear.gather [hbm4b:s6+s2], $0x13A0, $0x38;
	[tilespmem:$0x7AE0] =	vst v63  }
0x14: {  	_ =	swait.ge [sflag:s9], $0x13A0  }
0x15: {  	[sflag:s9] =	ssyncset.done $0x0  }
0x16: {  	[sflag:s9] =	ssyncadd.s32 $0xFFFFEC60  }
0x17: {  	[tilespmem:s12], [sflag:$0x1] =	stream.indirect.gather [hbm4b:s3+s11], $0x100, s2, s11, $0xb8;
	[tilespmem:$0x7AE0] =	vst v63  }
0x18: {  	_ = 	snop  }
0x19: {  	[tilespmem:s13], [sflag:$0x1] =	stream.indirect.gather [hbm4b:s3+s11], $0x100, s11, s11, $0xb8;
	[tilespmem:$0x7AE0] =	vst v63  }
0x1a: {  	_ = 	snop  }
0x1b: {  	[tilespmem:s14], [sflag:$0x1] =	stream.indirect.gather [hbm4b:s4+s11], $0x100, s10, s11, $0xb8;
	[tilespmem:$0x7AE0] =	vst v63  }
0x1c: {  	s25 =	simm.s32 $0x0  }
0x1d: {  	[tilespmem:s16], [sflag:$0x1] =	stream.indirect.gather [hbm4b:s4+s11], $0x100, s15, s11, $0xb8;
	[tilespmem:$0x7AE0] =	vst v63  }
.LBB2_2:
0x1e: {  	s28 =	sshll.u32 s25, $0x5  }
0x1f: {  	s26 =	sor.u32 $0x10, s28  }
0x20: {  	[tilespmem:s17], [sflag:$0x2] =	stream.indirect.gather [hbm4b:s3+s11], $0x100, s26, s11, $0xb8;
	[tilespmem:$0x7AE0] =	vst v63  }
0x21: {  	s0 =	sor.u32 $0x18, s28  }
0x22: {  	[tilespmem:s18], [sflag:$0x2] =	stream.indirect.gather [hbm4b:s3+s11], $0x100, s0, s11, $0xb8;
	[tilespmem:$0x7AE0] =	vst v63  }
0x23: {  	s1 =	sadd.s32 $0x13B0, s28  }
0x24: {  	[tilespmem:s19], [sflag:$0x2] =	stream.indirect.gather [hbm4b:s4+s11], $0x100, s1, s11, $0xb8;
	[tilespmem:$0x7AE0] =	vst v63  }
0x25: {  	s1 =	sadd.s32 $0x13B8, s28  }
0x26: {  	[tilespmem:s20], [sflag:$0x2] =	stream.indirect.gather [hbm4b:s4+s11], $0x100, s1, s11, $0xb8;
	[tilespmem:$0x7AE0] =	vst v63  }
0x27: {  	_ =	swait.ge [sflag:s21], $0x800  }
0x28: {  	[sflag:s21] =	ssyncset.done $0x0  }
0x29: {  	[sflag:s21] =	ssyncadd.s32 $0xFFFFF800  }
0x2a: {  	_ =	swait.ge [sflag:s21], $0x800  }
0x2b: {  	[sflag:s21] =	ssyncset.done $0x0  }
0x2c: {  	[sflag:s21] =	ssyncadd.s32 $0xFFFFF800  }
0x2d: {  	_ =	swait.ge [sflag:s21], $0x800  }
0x2e: {  	[sflag:s21] =	ssyncset.done $0x0  }
0x2f: {  	[sflag:s21] =	ssyncadd.s32 $0xFFFFF800  }
0x30: {  	_ =	swait.ge [sflag:s21], $0x800  }
0x31: {  	[sflag:s21] =	ssyncset.done $0x0  }
0x32: {  	s30 =	simm.s32 $0x2840;
	[sflag:s21] =	ssyncadd.s32 $0xFFFFF800  }
0x33: {  	s29 =	simm.s32 $0x3840;
	v8 =	vld [tilespmem:s30+$0xC0]  }
0x34: {  	v14 =	vld [tilespmem:s29+$0xC0]  }
0x35: {  	v16 =	vld [tilespmem:s30+$0xD0]  }
0x36: {  	v17 =	vld [tilespmem:s29+$0xD0]  }
0x37: {  	v18 =	vld [tilespmem:s30+$0xE0]  }
0x38: {  	v19 =	vld [tilespmem:s29+$0xE0]  }
0x39: {  	v5 =	vld [tilespmem:s30+$0xF0]  }
0x3a: {  	v20 =	vld [tilespmem:s30+$0xFFFFFFC0]  }
0x3b: {  	v21 =	vld [tilespmem:s29+$0xFFFFFFC0]  }
0x3c: {  	v6 =	vld [tilespmem:s30+$0xFFFFFFD0]  }
0x3d: {  	v9 =	vld [tilespmem:s29+$0xFFFFFFD0]  }
0x3e: {  	v7 =	vld [tilespmem:s30+$0xFFFFFFE0]  }
0x3f: {  	v22 =	vld [tilespmem:s30+$0x80]  }
0x40: {  	v23 =	vld [tilespmem:s29+$0x80]  }
0x41: {  	v24 =	vld [tilespmem:s30+$0x90]  }
0x42: {  	v25 =	vld [tilespmem:s29+$0x90]  }
0x43: {  	v26 =	vld [tilespmem:s30+$0xA0]  }
0x44: {  	v27 =	vld [tilespmem:s29+$0xA0]  }
0x45: {  	v28 =	vld [tilespmem:s30+$0xB0]  }
0x46: {  	v29 =	vld [tilespmem:s29+$0xB0]  }
0x47: {  	v11 =	vld [tilespmem:s30+$0xFFFFFF80]  }
0x48: {  	v13 =	vld [tilespmem:s29+$0xFFFFFF80]  }
0x49: {  	v10 =	vld [tilespmem:s30+$0xFFFFFF90]  }
0x4a: {  	v12 =	vld [tilespmem:s29+$0xFFFFFF90]  }
0x4b: {  	v30 =	vld [tilespmem:s30+$0x0]  }
0x4c: {  	v31 =	vld [tilespmem:s29+$0x0]  }
0x4d: {  	v32 =	vld [tilespmem:s30+$0x10]  }
0x4e: {  	v33 =	vld [tilespmem:s29+$0x10]  }
0x4f: {  	v34 =	vld [tilespmem:s30+$0x20]  }
0x50: {  	v35 =	vld [tilespmem:s29+$0x20]  }
0x51: {  	v36 =	vld [tilespmem:s30+$0x30]  }
0x52: {  	v37 =	vld [tilespmem:s29+$0x30]  }
0x53: {  	v38 =	vld [tilespmem:s30+$0x40]  }
0x54: {  	v39 =	vld [tilespmem:s29+$0x40]  }
0x55: {  	v40 =	vld [tilespmem:s30+$0x50]  }
0x56: {  	v41 =	vld [tilespmem:s29+$0x50]  }
0x57: {  	v42 =	vld [tilespmem:s30+$0x60]  }
0x58: {  	v43 =	vld [tilespmem:s29+$0x60]  }
0x59: {  	v44 =	vld [tilespmem:s30+$0x70]  }
0x5a: {  	v45 =	vld [tilespmem:s29+$0x70]  }
0x5b: {  	v46 =	vld [tilespmem:s30+$0xFFFFFF00]  }
0x5c: {  	v47 =	vld [tilespmem:s29+$0xFFFFFF00]  }
0x5d: {  	v48 =	vld [tilespmem:s30+$0xFFFFFF10]  }
0x5e: {  	v49 =	vld [tilespmem:s29+$0xFFFFFF10]  }
0x5f: {  	v50 =	vld [tilespmem:s30+$0xFFFFFF20]  }
0x60: {  	v51 =	vld [tilespmem:s29+$0xFFFFFF20]  }
0x61: {  	v52 =	vld [tilespmem:s30+$0xFFFFFF30]  }
0x62: {  	v53 =	vld [tilespmem:s29+$0xFFFFFF30]  }
0x63: {  	v54 =	vld [tilespmem:s30+$0xFFFFFF40];
	v15 =	vmul.f32 v14, v8;
	v16 =	vmul.f32 v17, v16  }
0x64: {  	v55 =	vld [tilespmem:s29+$0xFFFFFF40];
	v17 =	vmul.f32 v21, v20;
	v14 =	vmul.f32 v19, v18  }
0x65: {  	v56 =	vld [tilespmem:s30+$0xFFFFFF50];
	v18 =	vmul.f32 v23, v22;
	v21 =	vmul.f32 v25, v24  }
0x66: {  	v57 =	vld [tilespmem:s29+$0xFFFFFF50];
	v19 =	vmul.f32 v27, v26;
	v20 =	vmul.f32 v29, v28  }
0x67: {  	v27 =	vld [tilespmem:s30+$0xFFFFFF60];
	v25 =	vmul.f32 v31, v30;
	v26 =	vmul.f32 v33, v32  }
0x68: {  	v31 =	vld [tilespmem:s29+$0xFFFFFF60];
	v22 =	vmul.f32 v35, v34;
	v23 =	vmul.f32 v37, v36  }
0x69: {  	v30 =	vld [tilespmem:s30+$0xFFFFFF70];
	v38 =	vmul.f32 v39, v38;
	v39 =	vmul.f32 v41, v40  }
0x6a: {  	v40 =	vld [tilespmem:s29+$0xFFFFFF70];
	v34 =	vmul.f32 v43, v42;
	v35 =	vmul.f32 v45, v44  }
0x6b: {  	v36 =	vmul.f32 v47, v46;
	v37 =	vmul.f32 v49, v48;
	v24 =	vld [tilespmem:s30+$0xFFFFFFA0]  }
0x6c: {  	v32 =	vmul.f32 v51, v50;
	v33 =	vmul.f32 v53, v52;
	v29 =	vld [tilespmem:s29+$0xFFFFFFA0]  }
0x6d: {  	s31 =	simm.s32 $0x0;
	s0 =	simm.s32 $0x2;
	v8 =	vimm.f32 $0.0e+00;
	v41 =	vmul.f32 v55, v54;
	v42 =	vmul.f32 v57, v56;
	v28 =	vld [tilespmem:s30+$0xFFFFFFB0]  }
.LBB2_3:
0x6e: {  	p0 =	sne.s32 s0, $0xE;
	v27 =	vmul.f32 v31, v27;
	v31 =	vld [tilespmem:s29+$0xFFFFFFB0];
	v25 =	vadd.f32 v38, v25;
	v26 =	vadd.f32 v39, v26  }
0x6f: {  	v22 =	vadd.f32 v34, v22;
	v23 =	vadd.f32 v35, v23;
	v30 =	vmul.f32 v40, v30;
	v38 =	vld [tilespmem:s29+$0xFFFFFFE0]  }
0x70: {  	v11 =	vmul.f32 v13, v11;
	v34 =	vadd.f32 v41, v36;
	v35 =	vadd.f32 v42, v37;
	v13 =	vld [tilespmem:s30+$0xFFFFFFF0]  }
0x71: {  	v10 =	vmul.f32 v12, v10;
	v27 =	vadd.f32 v27, v32;
	v30 =	vadd.f32 v30, v33;
	v12 =	vld [tilespmem:s29+$0xFFFFFFF0]  }
0x72: {  	v25 =	vadd.f32 v18, v25;
	v26 =	vadd.f32 v21, v26;
	s30 =	sadd.s32 $0x200, s30;
	v24 =	vmul.f32 v29, v24;
	v29 =	vld [tilespmem:s29+$0xF0]  }
0x73: {  	v23 =	vadd.f32 v20, v23;
	s29 =	sadd.s32 $0x200, s29;
	v18 =	vld [tilespmem:s30+$0xC0];
	v21 =	vmul.f32 v31, v28;
	v28 =	vadd.f32 v19, v22  }
0x74: {  	v6 =	vmul.f32 v9, v6;
	v11 =	vadd.f32 v11, v34;
	v10 =	vadd.f32 v10, v35;
	v19 =	vld [tilespmem:s29+$0xC0]  }
0x75: {  	v9 =	vadd.f32 v24, v27;
	v7 =	vmul.f32 v38, v7;
	v20 =	vld [tilespmem:s30+$0xD0];
	v24 =	vadd.f32 v21, v30  }
0x76: {  	v21 =	vld [tilespmem:s29+$0xD0];
	v12 =	vmul.f32 v12, v13;
	v13 =	vadd.f32 v15, v25;
	v15 =	vadd.f32 v16, v26  }
0x77: {  	v11 =	vadd.f32 v17, v11;
	v6 =	vadd.f32 v6, v10;
	v22 =	vld [tilespmem:s30+$0xE0];
	v10 =	vmul.f32 v29, v5  }
0x78: {  	v7 =	vadd.f32 v7, v9;
	v25 =	vld [tilespmem:s29+$0xE0];
	v9 =	vadd.f32 v12, v24  }
0x79: {  	v12 =	vadd.f32 v14, v28;
	v5 =	vld [tilespmem:s30+$0xF0];
	v10 =	vadd.f32 v10, v23  }
0x7a: {  	v11 =	vadd.f32 v6, v11;
	v14 =	vld [tilespmem:s30+$0xFFFFFFC0];
	v7 =	vadd.f32 v9, v7  }
0x7b: {  	v13 =	vadd.f32 v15, v13;
	v17 =	vld [tilespmem:s29+$0xFFFFFFC0];
	v10 =	vadd.f32 v10, v12  }
0x7c: {  	v6 =	vld [tilespmem:s30+$0xFFFFFFD0];
	v11 =	vadd.f32 v7, v11  }
0x7d: {  	v9 =	vld [tilespmem:s29+$0xFFFFFFD0];
	v10 =	vadd.f32 v10, v13  }
0x7e: {  	v7 =	vld [tilespmem:s30+$0xFFFFFFE0];
	v12 =	vperm.xlane v11, v0  }
0x7f: {  	v23 =	vld [tilespmem:s30+$0x80];
	v13 =	vperm.xlane v10, v0  }
0x80: {  	v24 =	vld [tilespmem:s29+$0x80];
	v11 =	vadd.f32 v11, v12  }
0x81: {  	v26 =	vld [tilespmem:s30+$0x90];
	v10 =	vadd.f32 v10, v13  }
0x82: {  	v27 =	vld [tilespmem:s29+$0x90];
	v12 =	vperm.xlane v11, v1  }
0x83: {  	v28 =	vld [tilespmem:s30+$0xA0];
	v13 =	vperm.xlane v10, v1  }
0x84: {  	v29 =	vld [tilespmem:s29+$0xA0];
	v12 =	vadd.f32 v11, v12  }
0x85: {  	v30 =	vld [tilespmem:s30+$0xB0];
	v15 =	vadd.f32 v10, v13  }
0x86: {  	v31 =	vld [tilespmem:s29+$0xB0];
	v10 =	vperm.xlane v12, v2  }
0x87: {  	v11 =	vld [tilespmem:s30+$0xFFFFFF80];
	v16 =	vperm.xlane v15, v2  }
0x88: {  	v13 =	vld [tilespmem:s29+$0xFFFFFF80];
	v32 =	vadd.f32 v12, v10  }
0x89: {  	v10 =	vld [tilespmem:s30+$0xFFFFFF90];
	v15 =	vadd.f32 v15, v16  }
0x8a: {  	v12 =	vld [tilespmem:s29+$0xFFFFFF90];
	v16 =	vperm.xlane v32, v3  }
0x8b: {  	v33 =	vld [tilespmem:s30+$0x0];
	v34 =	vperm.xlane v15, v3  }
0x8c: {  	s1 =	sadd.s32 $0x1, s31;
	v35 =	vld [tilespmem:s29+$0x0];
	v16 =	vadd.f32 v32, v16;
	v32 =	vmov s31;
	s31 =	smov.u32 s0  }
0x8d: {  	v36 =	vld [tilespmem:s30+$0x10];
	vm0 =	veq.s32 v32, v4;
	v15 =	vadd.f32 v15, v34;
	v32 =	vmov s1  }
0x8e: {  	v34 =	vld [tilespmem:s29+$0x10];
	v8 =	vsel vm0, v16, v8;
	vm0 =	veq.s32 v32, v4  }
0x8f: {  	v32 =	vld [tilespmem:s30+$0x20];
	v8 =	vsel vm0, v15, v8  }
0x90: {  	v37 =	vld [tilespmem:s29+$0x20]  }
0x91: {  	v38 =	vld [tilespmem:s30+$0x30]  }
0x92: {  	v39 =	vld [tilespmem:s29+$0x30]  }
0x93: {  	v40 =	vld [tilespmem:s30+$0x40]  }
0x94: {  	v41 =	vld [tilespmem:s29+$0x40]  }
0x95: {  	v42 =	vld [tilespmem:s30+$0x50]  }
0x96: {  	v43 =	vld [tilespmem:s29+$0x50]  }
0x97: {  	v44 =	vld [tilespmem:s30+$0x60]  }
0x98: {  	v45 =	vld [tilespmem:s29+$0x60]  }
0x99: {  	v46 =	vld [tilespmem:s30+$0x70]  }
0x9a: {  	v47 =	vld [tilespmem:s29+$0x70]  }
0x9b: {  	v48 =	vld [tilespmem:s30+$0xFFFFFF00]  }
0x9c: {  	v49 =	vld [tilespmem:s29+$0xFFFFFF00]  }
0x9d: {  	v50 =	vld [tilespmem:s30+$0xFFFFFF10]  }
0x9e: {  	v51 =	vld [tilespmem:s29+$0xFFFFFF10]  }
0x9f: {  	v52 =	vld [tilespmem:s30+$0xFFFFFF20]  }
0xa0: {  	v53 =	vld [tilespmem:s29+$0xFFFFFF20]  }
0xa1: {  	v54 =	vld [tilespmem:s30+$0xFFFFFF30]  }
0xa2: {  	v55 =	vld [tilespmem:s29+$0xFFFFFF30]  }
0xa3: {  	v16 =	vmul.f32 v21, v20;
	v15 =	vmul.f32 v19, v18;
	v56 =	vld [tilespmem:s30+$0xFFFFFF40]  }
0xa4: {  	v17 =	vmul.f32 v17, v14;
	v14 =	vmul.f32 v25, v22;
	v57 =	vld [tilespmem:s29+$0xFFFFFF40]  }
0xa5: {  	v21 =	vmul.f32 v27, v26;
	v18 =	vmul.f32 v24, v23;
	v58 =	vld [tilespmem:s30+$0xFFFFFF50]  }
0xa6: {  	v20 =	vmul.f32 v31, v30;
	v19 =	vmul.f32 v29, v28;
	v59 =	vld [tilespmem:s29+$0xFFFFFF50]  }
0xa7: {  	v25 =	vmul.f32 v35, v33;
	v26 =	vmul.f32 v34, v36;
	v27 =	vld [tilespmem:s30+$0xFFFFFF60]  }
0xa8: {  	v22 =	vmul.f32 v37, v32;
	v23 =	vmul.f32 v39, v38;
	v31 =	vld [tilespmem:s29+$0xFFFFFF60]  }
.Ltmp0:
0xa9: {  	v38 =	vmul.f32 v41, v40;
	v39 =	vmul.f32 v43, v42;
	v30 =	vld [tilespmem:s30+$0xFFFFFF70];
	(pc) =	sbr.rel @p0 .LBB2_3-.Ltmp0, $4  }
0xaa: {  	v34 =	vmul.f32 v45, v44;
	v35 =	vmul.f32 v47, v46;
	v40 =	vld [tilespmem:s29+$0xFFFFFF70]  }
0xab: {  	v36 =	vmul.f32 v49, v48;
	v37 =	vmul.f32 v51, v50;
	v24 =	vld [tilespmem:s30+$0xFFFFFFA0]  }
0xac: {  	v32 =	vmul.f32 v53, v52;
	v33 =	vmul.f32 v55, v54;
	v29 =	vld [tilespmem:s29+$0xFFFFFFA0]  }
0xad: {  	s0 =	sadd.s32 $0x2, s0;
	v41 =	vmul.f32 v57, v56;
	v42 =	vmul.f32 v59, v58;
	v28 =	vld [tilespmem:s30+$0xFFFFFFB0]  }
0xae: {  	v27 =	vmul.f32 v31, v27;
	v31 =	vld [tilespmem:s29+$0xFFFFFFB0];
	v25 =	vadd.f32 v38, v25;
	v26 =	vadd.f32 v39, v26  }
0xaf: {  	v22 =	vadd.f32 v34, v22;
	v23 =	vadd.f32 v35, v23;
	v11 =	vmul.f32 v13, v11;
	v13 =	vld [tilespmem:s30+$0xFFFFFFF0]  }
0xb0: {  	v10 =	vmul.f32 v12, v10;
	v12 =	vld [tilespmem:s29+$0xFFFFFFF0];
	v58 =	vadd.f32 v41, v36;
	v59 =	vadd.f32 v42, v37  }
0xb1: {  	v57 =	vld [tilespmem:s29+$0xFFFFFFE0];
	v30 =	vmul.f32 v40, v30;
	v27 =	vadd.f32 v27, v32;
	v18 =	vadd.f32 v18, v25  }
0xb2: {  	v6 =	vmul.f32 v9, v6;
	v21 =	vadd.f32 v21, v26;
	v25 =	vld [tilespmem:s29+$0xF0];
	v19 =	vadd.f32 v19, v22  }
0xb3: {  	v20 =	vadd.f32 v20, v23;
	v30 =	vadd.f32 v30, v33;
	v24 =	vmul.f32 v29, v24  }
0xb4: {  	v11 =	vadd.f32 v11, v58;
	v10 =	vadd.f32 v10, v59;
	v26 =	vmul.f32 v31, v28  }
0xb5: {  	v9 =	vadd.f32 v24, v27;
	v12 =	vmul.f32 v12, v13;
	v13 =	vadd.f32 v15, v18  }
0xb6: {  	v7 =	vmul.f32 v57, v7;
	v15 =	vadd.f32 v16, v21;
	v22 =	vadd.f32 v26, v30  }
0xb7: {  	v11 =	vadd.f32 v17, v11;
	v6 =	vadd.f32 v6, v10;
	v5 =	vmul.f32 v25, v5  }
0xb8: {  	v7 =	vadd.f32 v7, v9;
	v9 =	vadd.f32 v12, v22  }
0xb9: {  	v10 =	vadd.f32 v14, v19;
	v5 =	vadd.f32 v5, v20  }
0xba: {  	v6 =	vadd.f32 v6, v11;
	v7 =	vadd.f32 v9, v7  }
0xbb: {  	v9 =	vadd.f32 v15, v13;
	v5 =	vadd.f32 v5, v10  }
0xbc: {  	v6 =	vadd.f32 v7, v6  }
0xbd: {  	v5 =	vadd.f32 v5, v9  }
0xbe: {  	v7 =	vperm.xlane v6, v0  }
0xbf: {  	v9 =	vperm.xlane v5, v0  }
0xc0: {  	v6 =	vadd.f32 v6, v7  }
0xc1: {  	v5 =	vadd.f32 v5, v9  }
0xc2: {  	v7 =	vperm.xlane v6, v1  }
0xc3: {  	v9 =	vperm.xlane v5, v1  }
0xc4: {  	v6 =	vadd.f32 v6, v7  }
0xc5: {  	v5 =	vadd.f32 v5, v9  }
0xc6: {  	v7 =	vperm.xlane v6, v2  }
0xc7: {  	v9 =	vperm.xlane v5, v2  }
0xc8: {  	v6 =	vadd.f32 v6, v7  }
0xc9: {  	v5 =	vadd.f32 v5, v9  }
0xca: {  	v7 =	vperm.xlane v6, v3  }
0xcb: {  	v9 =	vperm.xlane v5, v3  }
0xcc: {  	s0 =	sadd.s32 $0x1, s31;
	v6 =	vadd.f32 v6, v7;
	v7 =	vmov s31  }
0xcd: {  	v5 =	vadd.f32 v5, v9;
	vm0 =	veq.s32 v7, v4;
	v7 =	vmov s0  }
0xce: {  	v6 =	vsel vm0, v6, v8;
	vm15 =	veq.s32 v7, v4  }
0xcf: {  	v5 =	vsel vm15, v5, v6  }
0xd0: {  	v5 =	vsub.f32 $0.0e+00, v5;
	_ =	sdelay $0x1  }
0xd1: {  	v5 =	vmul.f32 $1.442695020e+00, v5;
	_ =	sdelay $0x1  }
0xd2: {  	(erf) = vpow2.f32 v5;
	_ =	sdelay $0x8  }
0xd3: {  	v5 =	vpop (erf)  }
0xd4: {  	v5 =	vadd.f32 $1.000000000e+00, v5;
	_ =	sdelay $0x1  }
0xd5: {  	(erf) = vrcp.f32 v5;
	_ =	sdelay $0x6  }
0xd6: {  	s1 =	sshll.u32 s25, $0x1  }
0xd7: {  	s0 =	smin.u32 s1, $0x137  }
0xd8: {  	s1 =	sand.u32 $0x3FFFFFE0, s28;
	s0 =	sshll.u32 s0, $0x4;
	v5 =	vpop (erf)  }
0xd9: {  	s31 =	sadd.s32 $0x20, s0;
	[tilespmem:s1+$0x6740] =	vst v5  }
0xda: {  	[tilespmem:s12], [sflag:$0x1] =	stream.indirect.gather [hbm4b:s3+s11], $0x100, s31, s11, $0xb8;
	[tilespmem:$0x7AE0] =	vst v63  }
0xdb: {  	s31 =	sadd.s32 $0x28, s0  }
0xdc: {  	[tilespmem:s13], [sflag:$0x1] =	stream.indirect.gather [hbm4b:s3+s11], $0x100, s31, s11, $0xb8;
	[tilespmem:$0x7AE0] =	vst v63  }
0xdd: {  	s31 =	sadd.s32 $0x13C0, s0  }
0xde: {  	[tilespmem:s14], [sflag:$0x1] =	stream.indirect.gather [hbm4b:s4+s11], $0x100, s31, s11, $0xb8;
	[tilespmem:$0x7AE0] =	vst v63  }
0xdf: {  	s0 =	sadd.s32 $0x13C8, s0  }
0xe0: {  	[tilespmem:s16], [sflag:$0x1] =	stream.indirect.gather [hbm4b:s4+s11], $0x100, s0, s11, $0xb8;
	[tilespmem:$0x7AE0] =	vst v63  }
0xe1: {  	_ =	swait.ge [sflag:s22], $0x800  }
0xe2: {  	[sflag:s22] =	ssyncset.done $0x0  }
0xe3: {  	[sflag:s22] =	ssyncadd.s32 $0xFFFFF800  }
0xe4: {  	_ =	swait.ge [sflag:s22], $0x800  }
0xe5: {  	[sflag:s22] =	ssyncset.done $0x0  }
0xe6: {  	[sflag:s22] =	ssyncadd.s32 $0xFFFFF800  }
0xe7: {  	_ =	swait.ge [sflag:s22], $0x800  }
0xe8: {  	[sflag:s22] =	ssyncset.done $0x0  }
0xe9: {  	[sflag:s22] =	ssyncadd.s32 $0xFFFFF800  }
0xea: {  	_ =	swait.ge [sflag:s22], $0x800  }
0xeb: {  	[sflag:s22] =	ssyncset.done $0x0  }
0xec: {  	s29 =	simm.s32 $0x4840;
	[sflag:s22] =	ssyncadd.s32 $0xFFFFF800  }
0xed: {  	s28 =	simm.s32 $0x5840;
	v8 =	vld [tilespmem:s29+$0xC0]  }
0xee: {  	v14 =	vld [tilespmem:s28+$0xC0]  }
0xef: {  	v16 =	vld [tilespmem:s29+$0xD0]  }
0xf0: {  	v17 =	vld [tilespmem:s28+$0xD0]  }
0xf1: {  	v18 =	vld [tilespmem:s29+$0xE0]  }
0xf2: {  	v19 =	vld [tilespmem:s28+$0xE0]  }
0xf3: {  	v5 =	vld [tilespmem:s29+$0xF0]  }
0xf4: {  	v20 =	vld [tilespmem:s29+$0xFFFFFFC0]  }
0xf5: {  	v21 =	vld [tilespmem:s28+$0xFFFFFFC0]  }
0xf6: {  	v6 =	vld [tilespmem:s29+$0xFFFFFFD0]  }
0xf7: {  	v9 =	vld [tilespmem:s28+$0xFFFFFFD0]  }
0xf8: {  	v7 =	vld [tilespmem:s29+$0xFFFFFFE0]  }
0xf9: {  	v22 =	vld [tilespmem:s29+$0x80]  }
0xfa: {  	v23 =	vld [tilespmem:s28+$0x80]  }
0xfb: {  	v24 =	vld [tilespmem:s29+$0x90]  }
0xfc: {  	v25 =	vld [tilespmem:s28+$0x90]  }
0xfd: {  	v26 =	vld [tilespmem:s29+$0xA0]  }
0xfe: {  	v27 =	vld [tilespmem:s28+$0xA0]  }
0xff: {  	v28 =	vld [tilespmem:s29+$0xB0]  }
0x100: {  	v29 =	vld [tilespmem:s28+$0xB0]  }
0x101: {  	v11 =	vld [tilespmem:s29+$0xFFFFFF80]  }
0x102: {  	v13 =	vld [tilespmem:s28+$0xFFFFFF80]  }
0x103: {  	v10 =	vld [tilespmem:s29+$0xFFFFFF90]  }
0x104: {  	v12 =	vld [tilespmem:s28+$0xFFFFFF90]  }
0x105: {  	v30 =	vld [tilespmem:s29+$0x0]  }
0x106: {  	v31 =	vld [tilespmem:s28+$0x0]  }
0x107: {  	v32 =	vld [tilespmem:s29+$0x10]  }
0x108: {  	v33 =	vld [tilespmem:s28+$0x10]  }
0x109: {  	v34 =	vld [tilespmem:s29+$0x20]  }
0x10a: {  	v35 =	vld [tilespmem:s28+$0x20]  }
0x10b: {  	v36 =	vld [tilespmem:s29+$0x30]  }
0x10c: {  	v37 =	vld [tilespmem:s28+$0x30]  }
0x10d: {  	v38 =	vld [tilespmem:s29+$0x40]  }
0x10e: {  	v60 =	vld [tilespmem:s28+$0x40]  }
0x10f: {  	v61 =	vld [tilespmem:s29+$0x50]  }
0x110: {  	v62 =	vld [tilespmem:s28+$0x50]  }
0x111: {  	v63 =	vld [tilespmem:s29+$0x60]  }
0x112: {  	v43 =	vld [tilespmem:s28+$0x60]  }
0x113: {  	v44 =	vld [tilespmem:s29+$0x70]  }
0x114: {  	v45 =	vld [tilespmem:s28+$0x70]  }
0x115: {  	v46 =	vld [tilespmem:s29+$0xFFFFFF00]  }
0x116: {  	v47 =	vld [tilespmem:s28+$0xFFFFFF00]  }
0x117: {  	v48 =	vld [tilespmem:s29+$0xFFFFFF10]  }
0x118: {  	v49 =	vld [tilespmem:s28+$0xFFFFFF10]  }
0x119: {  	v50 =	vld [tilespmem:s29+$0xFFFFFF20]  }
0x11a: {  	v51 =	vld [tilespmem:s28+$0xFFFFFF20]  }
0x11b: {  	v52 =	vld [tilespmem:s29+$0xFFFFFF30]  }
0x11c: {  	v53 =	vld [tilespmem:s28+$0xFFFFFF30]  }
0x11d: {  	v54 =	vld [tilespmem:s29+$0xFFFFFF40];
	v15 =	vmul.f32 v14, v8;
	v16 =	vmul.f32 v17, v16  }
0x11e: {  	v55 =	vld [tilespmem:s28+$0xFFFFFF40];
	v17 =	vmul.f32 v21, v20;
	v14 =	vmul.f32 v19, v18  }
0x11f: {  	v56 =	vld [tilespmem:s29+$0xFFFFFF50];
	v18 =	vmul.f32 v23, v22;
	v21 =	vmul.f32 v25, v24  }
0x120: {  	v57 =	vld [tilespmem:s28+$0xFFFFFF50];
	v19 =	vmul.f32 v27, v26;
	v20 =	vmul.f32 v29, v28  }
0x121: {  	v40 =	vld [tilespmem:s28+$0xFFFFFF70];
	v25 =	vmul.f32 v31, v30;
	v26 =	vmul.f32 v33, v32  }
0x122: {  	v27 =	vld [tilespmem:s29+$0xFFFFFF60];
	v22 =	vmul.f32 v35, v34;
	v23 =	vmul.f32 v37, v36  }
0x123: {  	v31 =	vld [tilespmem:s28+$0xFFFFFF60];
	v38 =	vmul.f32 v60, v38;
	v39 =	vmul.f32 v62, v61  }
0x124: {  	v30 =	vld [tilespmem:s29+$0xFFFFFF70];
	v34 =	vmul.f32 v43, v63;
	v35 =	vmul.f32 v45, v44  }
0x125: {  	v36 =	vmul.f32 v47, v46;
	v37 =	vmul.f32 v49, v48;
	v24 =	vld [tilespmem:s29+$0xFFFFFFA0]  }
0x126: {  	v32 =	vmul.f32 v51, v50;
	v33 =	vmul.f32 v53, v52;
	v29 =	vld [tilespmem:s28+$0xFFFFFFA0]  }
0x127: {  	s30 =	simm.s32 $0x0;
	s0 =	simm.s32 $0x2;
	v8 =	vimm.f32 $0.0e+00;
	v41 =	vmul.f32 v55, v54;
	v42 =	vmul.f32 v57, v56;
	v28 =	vld [tilespmem:s29+$0xFFFFFFB0]  }
.LBB2_5:
0x128: {  	p0 =	sne.s32 s0, $0xE;
	v27 =	vmul.f32 v31, v27;
	v31 =	vld [tilespmem:s28+$0xFFFFFFB0];
	v25 =	vadd.f32 v38, v25;
	v26 =	vadd.f32 v39, v26  }
0x129: {  	v22 =	vadd.f32 v34, v22;
	v23 =	vadd.f32 v35, v23;
	v30 =	vmul.f32 v40, v30;
	v38 =	vld [tilespmem:s28+$0xFFFFFFE0]  }
0x12a: {  	v11 =	vmul.f32 v13, v11;
	v34 =	vadd.f32 v41, v36;
	v35 =	vadd.f32 v42, v37;
	v13 =	vld [tilespmem:s29+$0xFFFFFFF0]  }
0x12b: {  	v10 =	vmul.f32 v12, v10;
	v27 =	vadd.f32 v27, v32;
	v30 =	vadd.f32 v30, v33;
	v12 =	vld [tilespmem:s28+$0xFFFFFFF0]  }
0x12c: {  	v25 =	vadd.f32 v18, v25;
	v26 =	vadd.f32 v21, v26;
	s29 =	sadd.s32 $0x200, s29;
	v24 =	vmul.f32 v29, v24;
	v29 =	vld [tilespmem:s28+$0xF0]  }
0x12d: {  	v23 =	vadd.f32 v20, v23;
	s28 =	sadd.s32 $0x200, s28;
	v18 =	vld [tilespmem:s29+$0xC0];
	v21 =	vmul.f32 v31, v28;
	v28 =	vadd.f32 v19, v22  }
0x12e: {  	v6 =	vmul.f32 v9, v6;
	v11 =	vadd.f32 v11, v34;
	v10 =	vadd.f32 v10, v35;
	v19 =	vld [tilespmem:s28+$0xC0]  }
0x12f: {  	v9 =	vadd.f32 v24, v27;
	v7 =	vmul.f32 v38, v7;
	v20 =	vld [tilespmem:s29+$0xD0];
	v24 =	vadd.f32 v21, v30  }
0x130: {  	v21 =	vld [tilespmem:s28+$0xD0];
	v12 =	vmul.f32 v12, v13;
	v13 =	vadd.f32 v15, v25;
	v15 =	vadd.f32 v16, v26  }
0x131: {  	v11 =	vadd.f32 v17, v11;
	v6 =	vadd.f32 v6, v10;
	v22 =	vld [tilespmem:s29+$0xE0];
	v10 =	vmul.f32 v29, v5  }
0x132: {  	v7 =	vadd.f32 v7, v9;
	v25 =	vld [tilespmem:s28+$0xE0];
	v9 =	vadd.f32 v12, v24  }
0x133: {  	v12 =	vadd.f32 v14, v28;
	v5 =	vld [tilespmem:s29+$0xF0];
	v10 =	vadd.f32 v10, v23  }
0x134: {  	v11 =	vadd.f32 v6, v11;
	v14 =	vld [tilespmem:s29+$0xFFFFFFC0];
	v7 =	vadd.f32 v9, v7  }
0x135: {  	v13 =	vadd.f32 v15, v13;
	v17 =	vld [tilespmem:s28+$0xFFFFFFC0];
	v10 =	vadd.f32 v10, v12  }
0x136: {  	v6 =	vld [tilespmem:s29+$0xFFFFFFD0];
	v11 =	vadd.f32 v7, v11  }
0x137: {  	v9 =	vld [tilespmem:s28+$0xFFFFFFD0];
	v10 =	vadd.f32 v10, v13  }
0x138: {  	v7 =	vld [tilespmem:s29+$0xFFFFFFE0];
	v12 =	vperm.xlane v11, v0  }
0x139: {  	v23 =	vld [tilespmem:s29+$0x80];
	v13 =	vperm.xlane v10, v0  }
0x13a: {  	v24 =	vld [tilespmem:s28+$0x80];
	v11 =	vadd.f32 v11, v12  }
0x13b: {  	v26 =	vld [tilespmem:s29+$0x90];
	v10 =	vadd.f32 v10, v13  }
0x13c: {  	v27 =	vld [tilespmem:s28+$0x90];
	v12 =	vperm.xlane v11, v1  }
0x13d: {  	v28 =	vld [tilespmem:s29+$0xA0];
	v13 =	vperm.xlane v10, v1  }
0x13e: {  	v29 =	vld [tilespmem:s28+$0xA0];
	v12 =	vadd.f32 v11, v12  }
0x13f: {  	v30 =	vld [tilespmem:s29+$0xB0];
	v15 =	vadd.f32 v10, v13  }
0x140: {  	v31 =	vld [tilespmem:s28+$0xB0];
	v10 =	vperm.xlane v12, v2  }
0x141: {  	v11 =	vld [tilespmem:s29+$0xFFFFFF80];
	v16 =	vperm.xlane v15, v2  }
0x142: {  	v13 =	vld [tilespmem:s28+$0xFFFFFF80];
	v32 =	vadd.f32 v12, v10  }
0x143: {  	v10 =	vld [tilespmem:s29+$0xFFFFFF90];
	v15 =	vadd.f32 v15, v16  }
0x144: {  	v12 =	vld [tilespmem:s28+$0xFFFFFF90];
	v16 =	vperm.xlane v32, v3  }
0x145: {  	v33 =	vld [tilespmem:s29+$0x0];
	v34 =	vperm.xlane v15, v3  }
0x146: {  	s1 =	sadd.s32 $0x1, s30;
	v35 =	vld [tilespmem:s28+$0x0];
	v16 =	vadd.f32 v32, v16;
	v32 =	vmov s30;
	s30 =	smov.u32 s0  }
0x147: {  	v36 =	vld [tilespmem:s29+$0x10];
	vm0 =	veq.s32 v32, v4;
	v15 =	vadd.f32 v15, v34;
	v32 =	vmov s1  }
0x148: {  	v34 =	vld [tilespmem:s28+$0x10];
	v8 =	vsel vm0, v16, v8;
	vm0 =	veq.s32 v32, v4  }
0x149: {  	v32 =	vld [tilespmem:s29+$0x20];
	v8 =	vsel vm0, v15, v8  }
0x14a: {  	v37 =	vld [tilespmem:s28+$0x20]  }
0x14b: {  	v38 =	vld [tilespmem:s29+$0x30]  }
0x14c: {  	v39 =	vld [tilespmem:s28+$0x30]  }
0x14d: {  	v40 =	vld [tilespmem:s29+$0x40]  }
0x14e: {  	v41 =	vld [tilespmem:s28+$0x40]  }
0x14f: {  	v42 =	vld [tilespmem:s29+$0x50]  }
0x150: {  	v43 =	vld [tilespmem:s28+$0x50]  }
0x151: {  	v44 =	vld [tilespmem:s29+$0x60]  }
0x152: {  	v45 =	vld [tilespmem:s28+$0x60]  }
0x153: {  	v46 =	vld [tilespmem:s29+$0x70]  }
0x154: {  	v47 =	vld [tilespmem:s28+$0x70]  }
0x155: {  	v48 =	vld [tilespmem:s29+$0xFFFFFF00]  }
0x156: {  	v49 =	vld [tilespmem:s28+$0xFFFFFF00]  }
0x157: {  	v50 =	vld [tilespmem:s29+$0xFFFFFF10]  }
0x158: {  	v51 =	vld [tilespmem:s28+$0xFFFFFF10]  }
0x159: {  	v52 =	vld [tilespmem:s29+$0xFFFFFF20]  }
0x15a: {  	v53 =	vld [tilespmem:s28+$0xFFFFFF20]  }
0x15b: {  	v54 =	vld [tilespmem:s29+$0xFFFFFF30]  }
0x15c: {  	v55 =	vld [tilespmem:s28+$0xFFFFFF30]  }
0x15d: {  	v16 =	vmul.f32 v21, v20;
	v15 =	vmul.f32 v19, v18;
	v56 =	vld [tilespmem:s29+$0xFFFFFF40]  }
0x15e: {  	v17 =	vmul.f32 v17, v14;
	v14 =	vmul.f32 v25, v22;
	v57 =	vld [tilespmem:s28+$0xFFFFFF40]  }
0x15f: {  	v21 =	vmul.f32 v27, v26;
	v18 =	vmul.f32 v24, v23;
	v58 =	vld [tilespmem:s29+$0xFFFFFF50]  }
0x160: {  	v20 =	vmul.f32 v31, v30;
	v19 =	vmul.f32 v29, v28;
	v59 =	vld [tilespmem:s28+$0xFFFFFF50]  }
0x161: {  	v25 =	vmul.f32 v35, v33;
	v26 =	vmul.f32 v34, v36;
	v27 =	vld [tilespmem:s29+$0xFFFFFF60]  }
0x162: {  	v22 =	vmul.f32 v37, v32;
	v23 =	vmul.f32 v39, v38;
	v31 =	vld [tilespmem:s28+$0xFFFFFF60]  }
.Ltmp1:
0x163: {  	v38 =	vmul.f32 v41, v40;
	v39 =	vmul.f32 v43, v42;
	v30 =	vld [tilespmem:s29+$0xFFFFFF70];
	(pc) =	sbr.rel @p0 .LBB2_5-.Ltmp1, $4  }
0x164: {  	v34 =	vmul.f32 v45, v44;
	v35 =	vmul.f32 v47, v46;
	v40 =	vld [tilespmem:s28+$0xFFFFFF70]  }
0x165: {  	v36 =	vmul.f32 v49, v48;
	v37 =	vmul.f32 v51, v50;
	v24 =	vld [tilespmem:s29+$0xFFFFFFA0]  }
0x166: {  	v32 =	vmul.f32 v53, v52;
	v33 =	vmul.f32 v55, v54;
	v29 =	vld [tilespmem:s28+$0xFFFFFFA0]  }
0x167: {  	s0 =	sadd.s32 $0x2, s0;
	v41 =	vmul.f32 v57, v56;
	v42 =	vmul.f32 v59, v58;
	v28 =	vld [tilespmem:s29+$0xFFFFFFB0]  }
0x168: {  	v25 =	vadd.f32 v38, v25  }
0x169: {  	v27 =	vmul.f32 v31, v27;
	v49 =	vld [tilespmem:s28+$0xFFFFFFB0];
	v26 =	vadd.f32 v39, v26;
	v22 =	vadd.f32 v34, v22  }
0x16a: {  	v50 =	vld [tilespmem:s28+$0xFFFFFFE0];
	v23 =	vadd.f32 v35, v23;
	v51 =	vadd.f32 v41, v36  }
0x16b: {  	v11 =	vmul.f32 v13, v11;
	v53 =	vld [tilespmem:s29+$0xFFFFFFF0];
	v52 =	vadd.f32 v42, v37;
	v27 =	vadd.f32 v27, v32  }
0x16c: {  	v54 =	vld [tilespmem:s28+$0xFFFFFFF0];
	v30 =	vmul.f32 v40, v30;
	v18 =	vadd.f32 v18, v25;
	v21 =	vadd.f32 v21, v26  }
0x16d: {  	v10 =	vmul.f32 v12, v10;
	v55 =	vld [tilespmem:s28+$0xF0];
	v19 =	vadd.f32 v19, v22;
	v20 =	vadd.f32 v20, v23  }
0x16e: {  	v30 =	vadd.f32 v30, v33;
	v24 =	vmul.f32 v29, v24;
	v11 =	vadd.f32 v11, v51  }
0x16f: {  	v10 =	vadd.f32 v10, v52;
	v59 =	vadd.f32 v15, v18;
	v56 =	vmul.f32 v49, v28  }
0x170: {  	v6 =	vmul.f32 v9, v6;
	v60 =	vadd.f32 v16, v21;
	v57 =	vadd.f32 v24, v27  }
0x171: {  	v7 =	vmul.f32 v50, v7;
	v12 =	vmul.f32 v54, v53;
	v58 =	vadd.f32 v56, v30  }
0x172: {  	v11 =	vadd.f32 v17, v11;
	v6 =	vadd.f32 v6, v10;
	v5 =	vmul.f32 v55, v5  }
0x173: {  	v7 =	vadd.f32 v7, v57;
	v61 =	vadd.f32 v12, v58  }
0x174: {  	v62 =	vadd.f32 v14, v19;
	v5 =	vadd.f32 v5, v20  }
0x175: {  	v6 =	vadd.f32 v6, v11;
	v7 =	vadd.f32 v61, v7  }
0x176: {  	v63 =	vadd.f32 v60, v59;
	v5 =	vadd.f32 v5, v62  }
0x177: {  	v6 =	vadd.f32 v7, v6  }
0x178: {  	v5 =	vadd.f32 v5, v63  }
0x179: {  	v7 =	vperm.xlane v6, v0  }
0x17a: {  	v9 =	vperm.xlane v5, v0  }
0x17b: {  	v6 =	vadd.f32 v6, v7  }
0x17c: {  	v5 =	vadd.f32 v5, v9  }
0x17d: {  	v7 =	vperm.xlane v6, v1  }
0x17e: {  	v9 =	vperm.xlane v5, v1  }
0x17f: {  	v6 =	vadd.f32 v6, v7  }
0x180: {  	v5 =	vadd.f32 v5, v9  }
0x181: {  	v7 =	vperm.xlane v6, v2  }
0x182: {  	v9 =	vperm.xlane v5, v2  }
0x183: {  	v6 =	vadd.f32 v6, v7  }
0x184: {  	v5 =	vadd.f32 v5, v9  }
0x185: {  	v7 =	vperm.xlane v6, v3  }
0x186: {  	v9 =	vperm.xlane v5, v3  }
0x187: {  	s0 =	sadd.s32 $0x1, s30;
	v6 =	vadd.f32 v6, v7;
	v7 =	vmov s30  }
0x188: {  	v5 =	vadd.f32 v5, v9;
	vm0 =	veq.s32 v7, v4;
	v7 =	vmov s0  }
0x189: {  	v6 =	vsel vm0, v6, v8;
	vm15 =	veq.s32 v7, v4  }
0x18a: {  	v5 =	vsel vm15, v5, v6  }
0x18b: {  	v5 =	vsub.f32 $0.0e+00, v5;
	_ =	sdelay $0x1  }
0x18c: {  	v5 =	vmul.f32 $1.442695020e+00, v5;
	_ =	sdelay $0x1  }
0x18d: {  	(erf) = vpow2.f32 v5;
	_ =	sdelay $0x8  }
0x18e: {  	v5 =	vpop (erf)  }
0x18f: {  	v5 =	vadd.f32 $1.000000000e+00, v5;
	_ =	sdelay $0x1  }
0x190: {  	(erf) = vrcp.f32 v5;
	_ =	sdelay $0x3  }
0x191: {  	s25 =	sadd.s32 $0x1, s25  }
0x192: {  	p0 =	sne.s32 s25, $0x9D  }
.Ltmp2:
0x193: {  	_ = 	snop;
	(pc) =	sbr.rel @p0 .LBB2_2-.Ltmp2, $3  }
0x194: {  	_ =	sdelay $0x1  }
0x195: {  	v5 =	vpop (erf)  }
0x196: {  	[tilespmem:s26+$0x6740] =	vst v5  }
0x197: {  	_ =	swait.ge [sflag:s21], $0x800  }
0x198: {  	[sflag:s21] =	ssyncset.done $0x0  }
0x199: {  	[sflag:s21] =	ssyncadd.s32 $0xFFFFF800  }
0x19a: {  	_ =	swait.ge [sflag:s21], $0x800  }
0x19b: {  	[sflag:s21] =	ssyncset.done $0x0  }
0x19c: {  	[sflag:s21] =	ssyncadd.s32 $0xFFFFF800  }
0x19d: {  	_ =	swait.ge [sflag:s21], $0x800  }
0x19e: {  	[sflag:s21] =	ssyncset.done $0x0  }
0x19f: {  	[sflag:s21] =	ssyncadd.s32 $0xFFFFF800  }
0x1a0: {  	s24 =	sadd.s32 $0x1, s24;
	_ =	swait.ge [sflag:s21], $0x800  }
0x1a1: {  	p0 =	sne.s32 s24, s8;
	[sflag:s21] =	ssyncset.done $0x0  }
.Ltmp3:
0x1a2: {  	[sflag:s21] =	ssyncadd.s32 $0xFFFFF800;
	(pc) =	sbr.rel @p0 .LBB2_1-.Ltmp3, $4  }
0x1a3: {  	[hbm4b:s7+s2] =	stream.linear.scatter [tilespmem:s23], [sflag:$0x3], $0x13A0, $0x38;
	[tilespmem:$0x7AE0] =	vst v63  }
0x1a4: {  	_ =	swait.ge [sflag:s9], $0x13A0  }
0x1a5: {  	[sflag:s9] =	ssyncset.done $0x0  }
0x1a6: {  	[sflag:s9] =	ssyncadd.s32 $0xFFFFEC60  }
0x1a7: {  	_ =	sfence.sel $0x180000  }
0x1a8: {  	[bflag:$0x0] =	sbarrier.arrive $0xFFFF  }
0x1a9: {  	_ =	strace $0x90000047  }
0x1aa: {  	s0 =	stileid.u32;
	[bflag:$0x2] =	sbarrier.arrive $0xFFFF  }
0x1ab: {  	p0 =	sne.s32 s0, $0x0;
	s0 =	rddreg [dreg:$0x2]  }
0x1ac: {  	s0 =	sadd.s32 @!p0 $0x100000, s0  }
0x1ad: {  	[sflag:s0] =	ssyncadd.tile.s32 @!p0 $0x1;
	_ =	shalt  }
.Lfunc_end2:
_tile_overlayer_lowered:
.L_overlay_start_2:
0x1ae: {  	(tag) =	ssettag $0x2  }
0x1af: {  	s0 =	rddreg [dreg:$0x0];
	s2 =	stileid.u32  }
0x1b0: {  	s1 =	rddreg [dreg:$0x1];
	p0 =	sne.s32 s2, $0x0  }
0x1b1: {  	s3 =	rddreg [dreg:$0x2];
	[bflag:$0x3] =	sbarrier.arrive $0xFFFF;
	s2 =	simm.s32 @!p0 $0x1C03  }
0x1b2: {  	[timem:s3], [sflag:s2] =	dma.local @!p0 [hbm:s0], s1  }
0x1b3: {  	s0 =	simm.s32 @!p0 $0x3  }
0x1b4: {  	_ =	swait.ge @!p0 [sflag:s0], s1  }
0x1b5: {  	s1 =	ssub.s32 @!p0 $0x0, s1;
	[sflag:s0] =	ssyncset.done @!p0 $0x0  }
0x1b6: {  	[sflag:s0] =	ssyncadd.s32 @!p0 s1  }
0x1b7: {  	[bflag:$0x3] =	sbarrier.arrive $0xFFFF  }
0x1b8: {  	_ =	shalt  }

</sc_bundles>
